<compile_context>
chip_gen: v7x
topology: tpu7x:2x2x1
jax: 0.10.2.dev20260603
libtpu: 0.0.44.dev20260713+nightly
codegen_flags: <defaults>
</compile_context>

<pallas_src>
import functools

import jax
import jax.numpy as jnp
from jax import lax
from jax.experimental import pallas as pl
from jax.experimental.pallas import tpu as pltpu
from jax.experimental.pallas import tpu_sc as plsc

NC = 2
NS = 16
LANES = 16
CHUNK = 128


def _pad_nodes(n):
  return ((n + NS * CHUNK - 1) // (NS * CHUNK)) * (NS * CHUNK)


def _sc_degree(cols3d, n_nodes, rounds):
  n_pad = _pad_nodes(n_nodes)
  rows_per_sub = n_pad // NS
  mesh = plsc.VectorSubcoreMesh(core_axis_name="c", subcore_axis_name="s", num_cores=NC, num_subcores=NS)

  @functools.partial(
      pl.kernel,
      out_type=jax.ShapeDtypeStruct((NC, n_pad, LANES), jnp.float32),
      mesh=mesh,
      scratch_types=[
          pltpu.VMEM((rounds, CHUNK), jnp.int32),
          pltpu.VMEM((CHUNK, LANES), jnp.float32),
          pltpu.VMEM((rows_per_sub, LANES), jnp.float32),
          pltpu.VMEM_SHARED((n_pad, LANES), jnp.float32),
      ],
      compiler_params=pltpu.CompilerParams(use_tc_tiling_on_sc=False),
  )
  def deg_kernel(cols_hbm, out_hbm, idx_v, ones_v, zero_v, acc_sh):
    c = lax.axis_index("c")
    s = lax.axis_index("s")
    wid = s * NC + c

    zero16 = jnp.zeros((LANES,), jnp.float32)
    one_row = jnp.where(lax.iota(jnp.int32, LANES) == 0, 1.0, 0.0)

    @pl.loop(0, rows_per_sub)
    def _(r):
      zero_v[r, :] = zero16

    @pl.loop(0, CHUNK)
    def _(r):
      ones_v[r, :] = one_row

    pltpu.sync_copy(zero_v, acc_sh.at[pl.ds(s * rows_per_sub, rows_per_sub)])
    pltpu.sync_copy(cols_hbm.at[wid], idx_v)
    plsc.subcore_barrier()

    @pl.loop(0, rounds)
    def _(k):
      pltpu.sync_copy(ones_v, acc_sh.at[idx_v.at[k]], add=True)

    plsc.subcore_barrier()
    pltpu.sync_copy(
        acc_sh.at[pl.ds(s * rows_per_sub, rows_per_sub)],
        out_hbm.at[c, pl.ds(s * rows_per_sub, rows_per_sub)],
    )

  return deg_kernel(cols3d)


def _sc_spmm(h2, src, dst, n_nodes):
  e = src.shape[0]
  n_chunks = e // CHUNK
  d = h2.shape[1]
  n_pad = _pad_nodes(n_nodes)
  rows_per_sub = n_pad // NS
  zrows = CHUNK
  mesh = plsc.VectorSubcoreMesh(core_axis_name="c", subcore_axis_name="s", num_cores=NC, num_subcores=NS)

  @functools.partial(
      pl.kernel,
      out_type=jax.ShapeDtypeStruct((NC, n_pad, d), jnp.float32),
      mesh=mesh,
      scratch_types=[
          pltpu.VMEM((CHUNK,), jnp.int32),
          pltpu.VMEM((CHUNK,), jnp.int32),
          pltpu.VMEM((CHUNK,), jnp.int32),
          pltpu.VMEM((CHUNK,), jnp.int32),
          pltpu.VMEM((CHUNK, d), jnp.float32),
          pltpu.VMEM((CHUNK, d), jnp.float32),
          pltpu.VMEM_SHARED((n_pad, d), jnp.float32),
          pltpu.SemaphoreType.DMA,
          pltpu.SemaphoreType.DMA,
          pltpu.SemaphoreType.DMA,
          pltpu.SemaphoreType.DMA,
      ],
  )
  def spmm_kernel(h2_hbm, src_hbm, dst_hbm, out_hbm, sidx0, didx0, sidx1,
                  didx1, gbuf0, gbuf1, acc_sh, sem0, sem1, isem0, isem1):
    c = lax.axis_index("c")
    s = lax.axis_index("s")
    wid = s * NC + c

    zero16 = jnp.zeros((LANES,), jnp.float32)

    @pl.loop(0, zrows)
    def _(r):
      @pl.loop(0, d, step=LANES)
      def _(j):
        gbuf0[r, pl.ds(j, LANES)] = zero16

    @pl.loop(0, rows_per_sub, step=zrows)
    def _(r0):
      pltpu.sync_copy(
          gbuf0.at[pl.ds(0, zrows)],
          acc_sh.at[pl.ds(s * rows_per_sub + r0, zrows)],
      )

    plsc.subcore_barrier()

    nw = NC * NS
    max_rounds = (n_chunks + nw - 1) // nw
    max_rounds += max_rounds % 2

    def start_idx(g, sidx, didx, isem):
      pltpu.make_async_copy(src_hbm.at[pl.ds(g * CHUNK, CHUNK)], sidx,
                            isem).start()
      pltpu.make_async_copy(dst_hbm.at[pl.ds(g * CHUNK, CHUNK)], didx,
                            isem).start()

    def start_gather(sidx, didx, gbuf, sem, isem):
      pltpu.make_async_copy(src_hbm.at[pl.ds(0, CHUNK)], sidx, isem).wait()
      pltpu.make_async_copy(dst_hbm.at[pl.ds(0, CHUNK)], didx, isem).wait()
      pltpu.make_async_copy(h2_hbm.at[sidx], gbuf, sem).start()

    def drain(didx, gbuf, sem):
      pltpu.make_async_copy(h2_hbm.at[sidx0], gbuf, sem).wait()
      pltpu.sync_copy(gbuf, acc_sh.at[didx], add=True)

    @pl.when(wid < n_chunks)
    def _():
      start_idx(wid, sidx0, didx0, isem0)

    @pl.when(wid + nw < n_chunks)
    def _():
      start_idx(wid + nw, sidx1, didx1, isem1)

    @pl.when(wid < n_chunks)
    def _():
      start_gather(sidx0, didx0, gbuf0, sem0, isem0)

    @pl.loop(0, max_rounds, step=2)
    def _(k):
      g0 = wid + k * nw
      g1 = g0 + nw
      g2 = g1 + nw
      g3 = g2 + nw

      @pl.when(g1 < n_chunks)
      def _():
        start_gather(sidx1, didx1, gbuf1, sem1, isem1)

      @pl.when(g0 < n_chunks)
      def _():
        drain(didx0, gbuf0, sem0)

      @pl.when(g2 < n_chunks)
      def _():
        start_idx(g2, sidx0, didx0, isem0)
        start_gather(sidx0, didx0, gbuf0, sem0, isem0)

      @pl.when(g1 < n_chunks)
      def _():
        drain(didx1, gbuf1, sem1)

      @pl.when(g3 < n_chunks)
      def _():
        start_idx(g3, sidx1, didx1, isem1)

    plsc.subcore_barrier()
    pltpu.sync_copy(
        acc_sh.at[pl.ds(s * rows_per_sub, rows_per_sub)],
        out_hbm.at[c, pl.ds(s * rows_per_sub, rows_per_sub)],
    )

  return spmm_kernel(h2, src, dst)


def _tc_linear_scale(x, w, degp):
  n, d_in = x.shape
  d_out = w.shape[0]
  bm = 1000

  def body(x_ref, w_ref, dp_ref, o_ref):
    h = lax.dot_general(
        x_ref[...], w_ref[...],
        (((1,), (1,)), ((), ())),
        precision=lax.Precision.HIGHEST,
    )
    deg = 1.0 + dp_ref[0, :, 0] + dp_ref[1, :, 0]
    o_ref[...] = h * lax.rsqrt(deg)[:, None]

  return pl.pallas_call(
      body,
      grid=(n // bm,),
      in_specs=[
          pl.BlockSpec((bm, d_in), lambda i: (i, 0)),
          pl.BlockSpec((d_out, d_in), lambda i: (0, 0)),
          pl.BlockSpec((NC, bm, LANES), lambda i: (0, i, 0)),
      ],
      out_specs=pl.BlockSpec((bm, d_out), lambda i: (i, 0)),
      out_shape=jax.ShapeDtypeStruct((n, d_out), jnp.float32),
  )(x, w, degp)


def _tc_combine(q, degp, h2):
  n, d = h2.shape
  bm = 1000

  def body(q_ref, dp_ref, h2_ref, o_ref):
    deg = 1.0 + dp_ref[0, :, 0] + dp_ref[1, :, 0]
    agg = q_ref[0] + q_ref[1] + h2_ref[...]
    o_ref[...] = jnp.maximum(agg * lax.rsqrt(deg)[:, None], 0.0)

  return pl.pallas_call(
      body,
      grid=(n // bm,),
      in_specs=[
          pl.BlockSpec((NC, bm, d), lambda i: (0, i, 0)),
          pl.BlockSpec((NC, bm, LANES), lambda i: (0, i, 0)),
          pl.BlockSpec((bm, d), lambda i: (i, 0)),
      ],
      out_specs=pl.BlockSpec((bm, d), lambda i: (i, 0)),
      out_shape=jax.ShapeDtypeStruct((n, d), jnp.float32),
  )(q, degp, h2)


def kernel(x, edge_index, W):
  n = x.shape[0]
  n_pad = _pad_nodes(n)
  garbage_row = n_pad - 8
  ei = edge_index.astype(jnp.int32)
  e = ei.shape[1]
  n_chunks = e // CHUNK
  nw = NC * NS

  rounds = -(-n_chunks // nw)
  rounds = ((rounds + 3) // 4) * 4
  pad = rounds * nw * CHUNK - e

  def to_worker_blocks(flat, pad_values):
    padded = jnp.concatenate([flat, pad_values])
    return padded.reshape(rounds, nw, CHUNK).transpose(1, 0, 2)

  pad_zero = jnp.zeros((pad,), jnp.int32)
  pad_spread = n + (jnp.arange(pad, dtype=jnp.int32) % (n_pad - n - 8))
  cols3d = to_worker_blocks(ei[1], pad_spread)

  degp = _sc_degree(cols3d, n, rounds)
  h2 = _tc_linear_scale(x, W, degp)
  q = _sc_spmm(h2, ei[1], ei[0], n)
  return _tc_combine(q, degp, h2)

# --- scband reference (transcript-rebuilt; emitter-appended) ---
"""Pipeline reference for scband-gcnlayer-18442589569934 (READ-ONLY COPY).

The authoritative reference and input builder live on the scoring server;
editing this copy changes nothing except your own understanding.
"""

import jax, jax.numpy as jnp
import numpy as np

N_NODES = 10000
N_EDGES = 320000
D_IN = 128
D_OUT = 128


def setup_inputs(seed: int = 0) -> dict:
    key = jax.random.key(seed)
    kx, ke, kw = jax.random.split(key, 3)
    x = jax.random.normal(kx, (N_NODES, D_IN), dtype=jnp.float32)
    edge_index = jax.random.randint(ke, (2, N_EDGES), 0, N_NODES, dtype=jnp.int64)
    # nn.Linear(input_dim, output_dim, bias=False) weight: [out, in], kaiming-uniform-ish scale
    W = jax.random.normal(kw, (D_OUT, D_IN), dtype=jnp.float32) * (1.0 / np.sqrt(D_IN))
    return {"x": x, "edge_index": edge_index, "W": W}


def reference(x, edge_index, W):
    n = x.shape[0]
    # --- normalize_adjacency_matrix (done once in __init__ of the torch module) ---
    loop = jnp.arange(n, dtype=edge_index.dtype)
    rows = jnp.concatenate([edge_index[0], loop])  # add_self_loops
    cols = jnp.concatenate([edge_index[1], loop])
    vals = jnp.ones(rows.shape[0], dtype=jnp.float32)
    # torch.sparse.sum(adj, dim=0) -> column sums
    deg = jax.ops.segment_sum(vals, cols, num_segments=n)
    dinv = jax.lax.rsqrt(deg)
    vals = vals * dinv[rows] * dinv[cols]
    # --- forward: act(norm_adj_mat @ linear(x)) ---
    h = x @ W.T                       # Linear, bias=False
    msg = h[cols] * vals[:, None]     # gather source-node features, scale by edge weight
    agg = jax.ops.segment_sum(msg, rows, num_segments=n)  # SpMM scatter-add
    return jax.nn.relu(agg)

if __name__ == "__main__":
    import jax
    _d = setup_inputs()
    print(jax.jit(kernel)(*tuple(_d.values())))

</pallas_src>

<mosaic_0001>
#map = affine_map<(d0, d1) -> (0, 0, 0)>
module attributes {stable_mosaic.version = 14 : i64} {
  func.func @deg_kernel(%arg0: i32, %arg1: i32, %arg2: memref<32x80x128xi32, #tpu.memory_space<hbm>>, %arg3: memref<2x10240x16xf32, #tpu.memory_space<hbm>>, %arg4: memref<80x128xi32, #tpu.memory_space<vmem>>, %arg5: memref<128x16xf32, #tpu.memory_space<vmem>>, %arg6: memref<640x16xf32, #tpu.memory_space<vmem>>, %arg7: memref<10240x16xf32, #tpu.memory_space<vmem_shared>>) attributes {dimension_semantics = [#tpu.dimension_semantics<core_parallel>, #tpu.dimension_semantics<subcore_parallel>], iteration_bounds = array<i64: 2, 16>, scalar_prefetch = 0 : i64, scratch_operands = 4 : i64, tpu.core_type = #tpu.core_type<sc_vector_subcore>, window_params = [{transform_indices = #map}, {transform_indices = #map}]} {
    %mul3A = arith.constant 2 : i32
    %mul3A_0 = arith.muli %arg1, %mul3A : i32
    %add3A = arith.addi %mul3A_0, %arg0 : i32
    %broadcast_in_dim3A = arith.constant 0.000000e+00 : f32
    %broadcast_in_dim3A_1 = vector.broadcast %broadcast_in_dim3A : f32 to vector<16xf32>
    %iota3A = tpu.iota {dimensions = array<i32: 0>} : vector<16xi32>
    %eq3A = arith.constant 0 : i32
    %eq3A_2 = vector.broadcast %eq3A : i32 to vector<16xi32>
    %eq3A_3 = arith.cmpi eq, %iota3A, %eq3A_2 : vector<16xi32>
    %jit3A = arith.constant 1.000000e+00 : f32
    %jit3A_4 = arith.constant 0.000000e+00 : f32
    %broadcast_in_dim3A_5 = vector.broadcast %jit3A : f32 to vector<16xf32>
    %broadcast_in_dim3A_6 = vector.broadcast %jit3A_4 : f32 to vector<16xf32>
    %select_n3A = arith.select %eq3A_3, %broadcast_in_dim3A_5, %broadcast_in_dim3A_6 : vector<16xi1>, vector<16xf32>
    %scan3A = arith.constant 0 : i32
    %scan3A_7 = arith.constant 640 : i32
    %scan3A_8 = arith.addi %scan3A, %scan3A_7 : i32
    %scan3A_9 = arith.constant 1 : i32
    scf.for %scan3A_28 = %scan3A to %scan3A_8 step %scan3A_9  : i32 {
      %mul3A_29 = arith.constant 1 : i32
      %mul3A_30 = arith.muli %scan3A_28, %mul3A_29 : i32
      %add3A_31 = arith.constant 0 : i32
      %add3A_32 = arith.addi %add3A_31, %mul3A_30 : i32
      %swap3A = arith.index_cast %add3A_32 : i32 to index
      %swap3A_33 = arith.constant 0 : index
      %swap3A_34 = tpu.vector_load %arg6[%swap3A, %swap3A_33] {strides = array<i32>} : memref<640x16xf32, #tpu.memory_space<vmem>>, vector<1x16xf32>,
      %swap3A_35 = vector.shape_cast %swap3A_34 : vector<1x16xf32> to vector<16xf32>
      %swap3A_36 = vector.shape_cast %broadcast_in_dim3A_1 : vector<16xf32> to vector<1x16xf32>
      tpu.vector_store %arg6[%swap3A, %swap3A_33], %swap3A_36 {strides = array<i32>} : memref<640x16xf32, #tpu.memory_space<vmem>>, vector<1x16xf32>,
    }
    %scan3A_10 = arith.constant 640 : i32
    %scan3A_11 = arith.constant 0 : i32
    %scan3A_12 = arith.constant 128 : i32
    %scan3A_13 = arith.addi %scan3A_11, %scan3A_12 : i32
    %scan3A_14 = arith.constant 1 : i32
    scf.for %scan3A_28 = %scan3A_11 to %scan3A_13 step %scan3A_14  : i32 {
      %mul3A_29 = arith.constant 1 : i32
      %mul3A_30 = arith.muli %scan3A_28, %mul3A_29 : i32
      %add3A_31 = arith.constant 0 : i32
      %add3A_32 = arith.addi %add3A_31, %mul3A_30 : i32
      %swap3A = arith.index_cast %add3A_32 : i32 to index
      %swap3A_33 = arith.constant 0 : index
      %swap3A_34 = tpu.vector_load %arg5[%swap3A, %swap3A_33] {strides = array<i32>} : memref<128x16xf32, #tpu.memory_space<vmem>>, vector<1x16xf32>,
      %swap3A_35 = vector.shape_cast %swap3A_34 : vector<1x16xf32> to vector<16xf32>
      %swap3A_36 = vector.shape_cast %select_n3A : vector<16xf32> to vector<1x16xf32>
      tpu.vector_store %arg5[%swap3A, %swap3A_33], %swap3A_36 {strides = array<i32>} : memref<128x16xf32, #tpu.memory_space<vmem>>, vector<1x16xf32>,
    }
    %scan3A_15 = arith.constant 128 : i32
    %mul3A_16 = arith.constant 640 : i32
    %mul3A_17 = arith.muli %arg1, %mul3A_16 : i32
    "tpu.region"() ({
      %run_scoped3A = tpu.sem_alloc : memref<!tpu.dma_semaphore, #tpu.memory_space<semaphore_mem>>
      %dma_start3A = arith.constant 0 : i32
      %dma_start3A_28 = tpu.memref_slice %arg7[%mul3A_17, %dma_start3A] : memref<10240x16xf32, #tpu.memory_space<vmem_shared>> -> memref<640x16xf32, #tpu.memory_space<vmem_shared>>
      %dma_start3A_29 = arith.constant 0 : i32
      %dma_start3A_30 = tpu.memref_slice %arg7[%mul3A_17, %dma_start3A_29] : memref<10240x16xf32, #tpu.memory_space<vmem_shared>> -> memref<640x16xf32, #tpu.memory_space<vmem_shared>>
      tpu.enqueue_dma source(%arg6 : memref<640x16xf32, #tpu.memory_space<vmem>>) target(%dma_start3A_30 : memref<640x16xf32, #tpu.memory_space<vmem_shared>>) target_semaphore(%run_scoped3A : memref<!tpu.dma_semaphore, #tpu.memory_space<semaphore_mem>>)
      %dma_wait3A = arith.constant 0 : i32
      %dma_wait3A_31 = tpu.memref_slice %arg7[%mul3A_17, %dma_wait3A] : memref<10240x16xf32, #tpu.memory_space<vmem_shared>> -> memref<640x16xf32, #tpu.memory_space<vmem_shared>>
      %dma_wait3A_32 = arith.constant 0 : i32
      %dma_wait3A_33 = tpu.memref_slice %arg7[%mul3A_17, %dma_wait3A_32] : memref<10240x16xf32, #tpu.memory_space<vmem_shared>> -> memref<640x16xf32, #tpu.memory_space<vmem_shared>>
      tpu.wait_dma2 semaphore(%run_scoped3A : memref<!tpu.dma_semaphore, #tpu.memory_space<semaphore_mem>>) src(%arg6 : memref<640x16xf32, #tpu.memory_space<vmem>>) dst(%dma_wait3A_33 : memref<640x16xf32, #tpu.memory_space<vmem_shared>>)
      tpu.yield
    }) : () -> ()
    "tpu.region"() ({
      %run_scoped3A = tpu.sem_alloc : memref<!tpu.dma_semaphore, #tpu.memory_space<semaphore_mem>>
      %dma_start3A = arith.constant 0 : i32
      %dma_start3A_28 = arith.constant 0 : i32
      %dma_start3A_29 = tpu.memref_slice %arg2[%add3A, %dma_start3A, %dma_start3A_28] : memref<32x80x128xi32, #tpu.memory_space<hbm>> -> memref<1x80x128xi32, #tpu.memory_space<hbm>>
      %dma_start3A_30 = tpu.memref_squeeze %dma_start3A_29 : memref<1x80x128xi32, #tpu.memory_space<hbm>> -> memref<80x128xi32, #tpu.memory_space<hbm>>
      %dma_start3A_31 = arith.constant 0 : i32
      %dma_start3A_32 = arith.constant 0 : i32
      %dma_start3A_33 = tpu.memref_slice %arg2[%add3A, %dma_start3A_31, %dma_start3A_32] : memref<32x80x128xi32, #tpu.memory_space<hbm>> -> memref<1x80x128xi32, #tpu.memory_space<hbm>>
      %dma_start3A_34 = tpu.memref_squeeze %dma_start3A_33 : memref<1x80x128xi32, #tpu.memory_space<hbm>> -> memref<80x128xi32, #tpu.memory_space<hbm>>
      tpu.enqueue_dma source(%dma_start3A_34 : memref<80x128xi32, #tpu.memory_space<hbm>>) target(%arg4 : memref<80x128xi32, #tpu.memory_space<vmem>>) target_semaphore(%run_scoped3A : memref<!tpu.dma_semaphore, #tpu.memory_space<semaphore_mem>>)
      %dma_wait3A = arith.constant 0 : i32
      %dma_wait3A_35 = arith.constant 0 : i32
      %dma_wait3A_36 = tpu.memref_slice %arg2[%add3A, %dma_wait3A, %dma_wait3A_35] : memref<32x80x128xi32, #tpu.memory_space<hbm>> -> memref<1x80x128xi32, #tpu.memory_space<hbm>>
      %dma_wait3A_37 = tpu.memref_squeeze %dma_wait3A_36 : memref<1x80x128xi32, #tpu.memory_space<hbm>> -> memref<80x128xi32, #tpu.memory_space<hbm>>
      %dma_wait3A_38 = arith.constant 0 : i32
      %dma_wait3A_39 = arith.constant 0 : i32
      %dma_wait3A_40 = tpu.memref_slice %arg2[%add3A, %dma_wait3A_38, %dma_wait3A_39] : memref<32x80x128xi32, #tpu.memory_space<hbm>> -> memref<1x80x128xi32, #tpu.memory_space<hbm>>
      %dma_wait3A_41 = tpu.memref_squeeze %dma_wait3A_40 : memref<1x80x128xi32, #tpu.memory_space<hbm>> -> memref<80x128xi32, #tpu.memory_space<hbm>>
      tpu.wait_dma2 semaphore(%run_scoped3A : memref<!tpu.dma_semaphore, #tpu.memory_space<semaphore_mem>>) src(%dma_wait3A_41 : memref<80x128xi32, #tpu.memory_space<hbm>>) dst(%arg4 : memref<80x128xi32, #tpu.memory_space<vmem>>)
      tpu.yield
    }) : () -> ()
    %barrier3A = arith.constant 0 : index
    tpu.barrier barrier_id(%barrier3A)
    %scan3A_18 = arith.constant 0 : i32
    %scan3A_19 = arith.constant 80 : i32
    %scan3A_20 = arith.addi %scan3A_18, %scan3A_19 : i32
    %scan3A_21 = arith.constant 1 : i32
    scf.for %scan3A_28 = %scan3A_18 to %scan3A_20 step %scan3A_21  : i32 {
      %mul3A_29 = arith.constant 1 : i32
      %mul3A_30 = arith.muli %scan3A_28, %mul3A_29 : i32
      %add3A_31 = arith.constant 0 : i32
      %add3A_32 = arith.addi %add3A_31, %mul3A_30 : i32
      "tpu.region"() ({
        %run_scoped3A = tpu.sem_alloc : memref<!tpu.dma_semaphore, #tpu.memory_space<semaphore_mem>>
        %dma_start3A = arith.constant 0 : i32
        %dma_start3A_33 = tpu.memref_slice %arg4[%add3A_32, %dma_start3A] : memref<80x128xi32, #tpu.memory_space<vmem>> -> memref<1x128xi32, #tpu.memory_space<vmem>>
        %dma_start3A_34 = tpu.memref_squeeze %dma_start3A_33 : memref<1x128xi32, #tpu.memory_space<vmem>> -> memref<128xi32, #tpu.memory_space<vmem>>
        %dma_start3A_35 = arith.constant 0 : i32
        %dma_start3A_36 = arith.constant 0 : i32
        %dma_start3A_37 = tpu.memref_slice %arg7[%dma_start3A_35, %dma_start3A_36] : memref<10240x16xf32, #tpu.memory_space<vmem_shared>> -> memref<10240x16xf32, #tpu.memory_space<vmem_shared>>
        tpu.enqueue_indirect_dma source(%arg5 : memref<128x16xf32, #tpu.memory_space<vmem>>) target(%dma_start3A_37 : memref<10240x16xf32, #tpu.memory_space<vmem_shared>>) offsets(%dma_start3A_34 : memref<128xi32, #tpu.memory_space<vmem>>) semaphore(%run_scoped3A : memref<!tpu.dma_semaphore, #tpu.memory_space<semaphore_mem>>) {add = true}
        %dma_wait3A = arith.constant 0 : i32
        %dma_wait3A_38 = tpu.memref_slice %arg4[%add3A_32, %dma_wait3A] : memref<80x128xi32, #tpu.memory_space<vmem>> -> memref<1x128xi32, #tpu.memory_space<vmem>>
        %dma_wait3A_39 = tpu.memref_squeeze %dma_wait3A_38 : memref<1x128xi32, #tpu.memory_space<vmem>> -> memref<128xi32, #tpu.memory_space<vmem>>
        %dma_wait3A_40 = arith.constant 0 : i32
        %dma_wait3A_41 = arith.constant 0 : i32
        %dma_wait3A_42 = tpu.memref_slice %arg7[%dma_wait3A_40, %dma_wait3A_41] : memref<10240x16xf32, #tpu.memory_space<vmem_shared>> -> memref<10240x16xf32, #tpu.memory_space<vmem_shared>>
        tpu.wait_indirect_dma semaphore(%run_scoped3A : memref<!tpu.dma_semaphore, #tpu.memory_space<semaphore_mem>>) src(%arg5 : memref<128x16xf32, #tpu.memory_space<vmem>>) dst(%dma_wait3A_42 : memref<10240x16xf32, #tpu.memory_space<vmem_shared>>)
        tpu.yield
      }) : () -> ()
    }
    %scan3A_22 = arith.constant 80 : i32
    %barrier3A_23 = arith.constant 0 : index
    tpu.barrier barrier_id(%barrier3A_23)
    %mul3A_24 = arith.constant 640 : i32
    %mul3A_25 = arith.muli %arg1, %mul3A_24 : i32
    %mul3A_26 = arith.constant 640 : i32
    %mul3A_27 = arith.muli %arg1, %mul3A_26 : i32
    "tpu.region"() ({
      %run_scoped3A = tpu.sem_alloc : memref<!tpu.dma_semaphore, #tpu.memory_space<semaphore_mem>>
      %dma_start3A = arith.constant 0 : i32
      %dma_start3A_28 = tpu.memref_slice %arg3[%arg0, %mul3A_27, %dma_start3A] : memref<2x10240x16xf32, #tpu.memory_space<hbm>> -> memref<1x640x16xf32, #tpu.memory_space<hbm>>
      %dma_start3A_29 = tpu.memref_squeeze %dma_start3A_28 : memref<1x640x16xf32, #tpu.memory_space<hbm>> -> memref<640x16xf32, #tpu.memory_space<hbm>>
      %dma_start3A_30 = arith.constant 0 : i32
      %dma_start3A_31 = tpu.memref_slice %arg7[%mul3A_25, %dma_start3A_30] : memref<10240x16xf32, #tpu.memory_space<vmem_shared>> -> memref<640x16xf32, #tpu.memory_space<vmem_shared>>
      tpu.enqueue_dma source(%dma_start3A_31 : memref<640x16xf32, #tpu.memory_space<vmem_shared>>) target(%dma_start3A_29 : memref<640x16xf32, #tpu.memory_space<hbm>>) target_semaphore(%run_scoped3A : memref<!tpu.dma_semaphore, #tpu.memory_space<semaphore_mem>>)
      %dma_wait3A = arith.constant 0 : i32
      %dma_wait3A_32 = tpu.memref_slice %arg3[%arg0, %mul3A_27, %dma_wait3A] : memref<2x10240x16xf32, #tpu.memory_space<hbm>> -> memref<1x640x16xf32, #tpu.memory_space<hbm>>
      %dma_wait3A_33 = tpu.memref_squeeze %dma_wait3A_32 : memref<1x640x16xf32, #tpu.memory_space<hbm>> -> memref<640x16xf32, #tpu.memory_space<hbm>>
      %dma_wait3A_34 = arith.constant 0 : i32
      %dma_wait3A_35 = tpu.memref_slice %arg7[%mul3A_25, %dma_wait3A_34] : memref<10240x16xf32, #tpu.memory_space<vmem_shared>> -> memref<640x16xf32, #tpu.memory_space<vmem_shared>>
      tpu.wait_dma2 semaphore(%run_scoped3A : memref<!tpu.dma_semaphore, #tpu.memory_space<semaphore_mem>>) src(%dma_wait3A_35 : memref<640x16xf32, #tpu.memory_space<vmem_shared>>) dst(%dma_wait3A_33 : memref<640x16xf32, #tpu.memory_space<hbm>>)
      tpu.yield
    }) : () -> ()
    return
  }
}

#map = affine_map<(d0, d1) -> (0, 0)>
#map1 = affine_map<(d0, d1) -> (0)>
#map2 = affine_map<(d0, d1) -> (0, 0, 0)>
module attributes {stable_mosaic.version = 14 : i64} {
  func.func @spmm_kernel(%arg0: i32, %arg1: i32, %arg2: memref<10000x128xf32, #tpu.memory_space<hbm>>, %arg3: memref<320000xi32, #tpu.memory_space<hbm>>, %arg4: memref<320000xi32, #tpu.memory_space<hbm>>, %arg5: memref<2x10240x128xf32, #tpu.memory_space<hbm>>, %arg6: memref<128xi32, #tpu.memory_space<vmem>>, %arg7: memref<128xi32, #tpu.memory_space<vmem>>, %arg8: memref<128xi32, #tpu.memory_space<vmem>>, %arg9: memref<128xi32, #tpu.memory_space<vmem>>, %arg10: memref<128x128xf32, #tpu.memory_space<vmem>>, %arg11: memref<128x128xf32, #tpu.memory_space<vmem>>, %arg12: memref<10240x128xf32, #tpu.memory_space<vmem_shared>>, %arg13: memref<!tpu.dma_semaphore, #tpu.memory_space<semaphore_mem>>, %arg14: memref<!tpu.dma_semaphore, #tpu.memory_space<semaphore_mem>>, %arg15: memref<!tpu.dma_semaphore, #tpu.memory_space<semaphore_mem>>, %arg16: memref<!tpu.dma_semaphore, #tpu.memory_space<semaphore_mem>>) attributes {dimension_semantics = [#tpu.dimension_semantics<core_parallel>, #tpu.dimension_semantics<subcore_parallel>], iteration_bounds = array<i64: 2, 16>, scalar_prefetch = 0 : i64, scratch_operands = 11 : i64, tpu.core_type = #tpu.core_type<sc_vector_subcore>, window_params = [{transform_indices = #map}, {transform_indices = #map1}, {transform_indices = #map1}, {transform_indices = #map2}]} {
    %mul3A = arith.constant 2 : i32
    %mul3A_0 = arith.muli %arg1, %mul3A : i32
    %add3A = arith.addi %mul3A_0, %arg0 : i32
    %broadcast_in_dim3A = arith.constant 0.000000e+00 : f32
    %broadcast_in_dim3A_1 = vector.broadcast %broadcast_in_dim3A : f32 to vector<16xf32>
    %scan3A = arith.constant 0 : i32
    %scan3A_2 = arith.constant 128 : i32
    %scan3A_3 = arith.addi %scan3A, %scan3A_2 : i32
    %scan3A_4 = arith.constant 1 : i32
    scf.for %scan3A_35 = %scan3A to %scan3A_3 step %scan3A_4  : i32 {
      %mul3A_36 = arith.constant 1 : i32
      %mul3A_37 = arith.muli %scan3A_35, %mul3A_36 : i32
      %add3A_38 = arith.constant 0 : i32
      %add3A_39 = arith.addi %add3A_38, %mul3A_37 : i32
      %scan3A_40 = arith.constant 0 : i32
      %scan3A_41 = arith.constant 8 : i32
      %scan3A_42 = arith.addi %scan3A_40, %scan3A_41 : i32
      %scan3A_43 = arith.constant 1 : i32
      scf.for %scan3A_45 = %scan3A_40 to %scan3A_42 step %scan3A_43  : i32 {
        %mul3A_46 = arith.constant 16 : i32
        %mul3A_47 = arith.muli %scan3A_45, %mul3A_46 : i32
        %add3A_48 = arith.constant 0 : i32
        %add3A_49 = arith.addi %add3A_48, %mul3A_47 : i32
        %swap3A = arith.index_cast %add3A_39 : i32 to index
        %swap3A_50 = arith.index_cast %add3A_49 : i32 to index
        %swap3A_51 = tpu.vector_load %arg10[%swap3A, %swap3A_50] {strides = array<i32>} : memref<128x128xf32, #tpu.memory_space<vmem>>, vector<1x16xf32>,
        %swap3A_52 = vector.shape_cast %swap3A_51 : vector<1x16xf32> to vector<16xf32>
        %swap3A_53 = vector.shape_cast %broadcast_in_dim3A_1 : vector<16xf32> to vector<1x16xf32>
        tpu.vector_store %arg10[%swap3A, %swap3A_50], %swap3A_53 {strides = array<i32>} : memref<128x128xf32, #tpu.memory_space<vmem>>, vector<1x16xf32>,
      }
      %scan3A_44 = arith.constant 8 : i32
    }
    %scan3A_5 = arith.constant 128 : i32
    %scan3A_6 = arith.constant 0 : i32
    %scan3A_7 = arith.constant 5 : i32
    %scan3A_8 = arith.addi %scan3A_6, %scan3A_7 : i32
    %scan3A_9 = arith.constant 1 : i32
    scf.for %scan3A_35 = %scan3A_6 to %scan3A_8 step %scan3A_9  : i32 {
      %mul3A_36 = arith.constant 128 : i32
      %mul3A_37 = arith.muli %scan3A_35, %mul3A_36 : i32
      %add3A_38 = arith.constant 0 : i32
      %add3A_39 = arith.addi %add3A_38, %mul3A_37 : i32
      %mul3A_40 = arith.constant 640 : i32
      %mul3A_41 = arith.muli %arg1, %mul3A_40 : i32
      %add3A_42 = arith.addi %mul3A_41, %add3A_39 : i32
      "tpu.region"() ({
        %run_scoped3A = tpu.sem_alloc : memref<!tpu.dma_semaphore, #tpu.memory_space<semaphore_mem>>
        %dma_start3A = arith.constant 0 : i32
        %dma_start3A_43 = arith.constant 0 : i32
        %dma_start3A_44 = tpu.memref_slice %arg10[%dma_start3A, %dma_start3A_43] : memref<128x128xf32, #tpu.memory_space<vmem>> -> memref<128x128xf32, #tpu.memory_space<vmem>>
        %dma_start3A_45 = arith.constant 0 : i32
        %dma_start3A_46 = tpu.memref_slice %arg12[%add3A_42, %dma_start3A_45] : memref<10240x128xf32, #tpu.memory_space<vmem_shared>> -> memref<128x128xf32, #tpu.memory_space<vmem_shared>>
        %dma_start3A_47 = arith.constant 0 : i32
        %dma_start3A_48 = tpu.memref_slice %arg12[%add3A_42, %dma_start3A_47] : memref<10240x128xf32, #tpu.memory_space<vmem_shared>> -> memref<128x128xf32, #tpu.memory_space<vmem_shared>>
        %dma_start3A_49 = arith.constant 0 : i32
        %dma_start3A_50 = arith.constant 0 : i32
        %dma_start3A_51 = tpu.memref_slice %arg10[%dma_start3A_49, %dma_start3A_50] : memref<128x128xf32, #tpu.memory_space<vmem>> -> memref<128x128xf32, #tpu.memory_space<vmem>>
        tpu.enqueue_dma source(%dma_start3A_51 : memref<128x128xf32, #tpu.memory_space<vmem>>) target(%dma_start3A_48 : memref<128x128xf32, #tpu.memory_space<vmem_shared>>) target_semaphore(%run_scoped3A : memref<!tpu.dma_semaphore, #tpu.memory_space<semaphore_mem>>)
        %dma_wait3A = arith.constant 0 : i32
        %dma_wait3A_52 = arith.constant 0 : i32
        %dma_wait3A_53 = tpu.memref_slice %arg10[%dma_wait3A, %dma_wait3A_52] : memref<128x128xf32, #tpu.memory_space<vmem>> -> memref<128x128xf32, #tpu.memory_space<vmem>>
        %dma_wait3A_54 = arith.constant 0 : i32
        %dma_wait3A_55 = tpu.memref_slice %arg12[%add3A_42, %dma_wait3A_54] : memref<10240x128xf32, #tpu.memory_space<vmem_shared>> -> memref<128x128xf32, #tpu.memory_space<vmem_shared>>
        %dma_wait3A_56 = arith.constant 0 : i32
        %dma_wait3A_57 = tpu.memref_slice %arg12[%add3A_42, %dma_wait3A_56] : memref<10240x128xf32, #tpu.memory_space<vmem_shared>> -> memref<128x128xf32, #tpu.memory_space<vmem_shared>>
        %dma_wait3A_58 = arith.constant 0 : i32
        %dma_wait3A_59 = arith.constant 0 : i32
        %dma_wait3A_60 = tpu.memref_slice %arg10[%dma_wait3A_58, %dma_wait3A_59] : memref<128x128xf32, #tpu.memory_space<vmem>> -> memref<128x128xf32, #tpu.memory_space<vmem>>
        tpu.wait_dma2 semaphore(%run_scoped3A : memref<!tpu.dma_semaphore, #tpu.memory_space<semaphore_mem>>) src(%dma_wait3A_60 : memref<128x128xf32, #tpu.memory_space<vmem>>) dst(%dma_wait3A_57 : memref<128x128xf32, #tpu.memory_space<vmem_shared>>)
        tpu.yield
      }) : () -> ()
    }
    %scan3A_10 = arith.constant 5 : i32
    %barrier3A = arith.constant 0 : index
    tpu.barrier barrier_id(%barrier3A)
    %lt3A = arith.constant 2500 : i32
    %lt3A_11 = arith.cmpi slt, %add3A, %lt3A : i32
    %convert_element_type3A = arith.extui %lt3A_11 : i1 to i32
    %cond3A = arith.constant 0 : i32
    %cond3A_12 = arith.cmpi ne, %convert_element_type3A, %cond3A : i32
    scf.if %cond3A_12 {
      %mul3A_35 = arith.constant 128 : i32
      %mul3A_36 = arith.muli %add3A, %mul3A_35 : i32
      %dma_start3A = tpu.memref_slice %arg3[%mul3A_36] : memref<320000xi32, #tpu.memory_space<hbm>> -> memref<128xi32, #tpu.memory_space<hbm>>
      %dma_start3A_37 = tpu.memref_slice %arg3[%mul3A_36] : memref<320000xi32, #tpu.memory_space<hbm>> -> memref<128xi32, #tpu.memory_space<hbm>>
      tpu.enqueue_dma source(%dma_start3A_37 : memref<128xi32, #tpu.memory_space<hbm>>) target(%arg6 : memref<128xi32, #tpu.memory_space<vmem>>) target_semaphore(%arg15 : memref<!tpu.dma_semaphore, #tpu.memory_space<semaphore_mem>>)
      %mul3A_38 = arith.constant 128 : i32
      %mul3A_39 = arith.muli %add3A, %mul3A_38 : i32
      %dma_start3A_40 = tpu.memref_slice %arg4[%mul3A_39] : memref<320000xi32, #tpu.memory_space<hbm>> -> memref<128xi32, #tpu.memory_space<hbm>>
      %dma_start3A_41 = tpu.memref_slice %arg4[%mul3A_39] : memref<320000xi32, #tpu.memory_space<hbm>> -> memref<128xi32, #tpu.memory_space<hbm>>
      tpu.enqueue_dma source(%dma_start3A_41 : memref<128xi32, #tpu.memory_space<hbm>>) target(%arg7 : memref<128xi32, #tpu.memory_space<vmem>>) target_semaphore(%arg15 : memref<!tpu.dma_semaphore, #tpu.memory_space<semaphore_mem>>)
    } else {
    }
    %add3A_13 = arith.constant 32 : i32
    %add3A_14 = arith.addi %add3A, %add3A_13 : i32
    %lt3A_15 = arith.constant 2500 : i32
    %lt3A_16 = arith.cmpi slt, %add3A_14, %lt3A_15 : i32
    %convert_element_type3A_17 = arith.extui %lt3A_16 : i1 to i32
    %cond3A_18 = arith.constant 0 : i32
    %cond3A_19 = arith.cmpi ne, %convert_element_type3A_17, %cond3A_18 : i32
    scf.if %cond3A_19 {
      %add3A_35 = arith.constant 32 : i32
      %add3A_36 = arith.addi %add3A, %add3A_35 : i32
      %mul3A_37 = arith.constant 128 : i32
      %mul3A_38 = arith.muli %add3A_36, %mul3A_37 : i32
      %dma_start3A = tpu.memref_slice %arg3[%mul3A_38] : memref<320000xi32, #tpu.memory_space<hbm>> -> memref<128xi32, #tpu.memory_space<hbm>>
      %dma_start3A_39 = tpu.memref_slice %arg3[%mul3A_38] : memref<320000xi32, #tpu.memory_space<hbm>> -> memref<128xi32, #tpu.memory_space<hbm>>
      tpu.enqueue_dma source(%dma_start3A_39 : memref<128xi32, #tpu.memory_space<hbm>>) target(%arg8 : memref<128xi32, #tpu.memory_space<vmem>>) target_semaphore(%arg16 : memref<!tpu.dma_semaphore, #tpu.memory_space<semaphore_mem>>)
      %mul3A_40 = arith.constant 128 : i32
      %mul3A_41 = arith.muli %add3A_36, %mul3A_40 : i32
      %dma_start3A_42 = tpu.memref_slice %arg4[%mul3A_41] : memref<320000xi32, #tpu.memory_space<hbm>> -> memref<128xi32, #tpu.memory_space<hbm>>
      %dma_start3A_43 = tpu.memref_slice %arg4[%mul3A_41] : memref<320000xi32, #tpu.memory_space<hbm>> -> memref<128xi32, #tpu.memory_space<hbm>>
      tpu.enqueue_dma source(%dma_start3A_43 : memref<128xi32, #tpu.memory_space<hbm>>) target(%arg9 : memref<128xi32, #tpu.memory_space<vmem>>) target_semaphore(%arg16 : memref<!tpu.dma_semaphore, #tpu.memory_space<semaphore_mem>>)
    } else {
    }
    %lt3A_20 = arith.constant 2500 : i32
    %lt3A_21 = arith.cmpi slt, %add3A, %lt3A_20 : i32
    %convert_element_type3A_22 = arith.extui %lt3A_21 : i1 to i32
    %cond3A_23 = arith.constant 0 : i32
    %cond3A_24 = arith.cmpi ne, %convert_element_type3A_22, %cond3A_23 : i32
    scf.if %cond3A_24 {
      %dma_wait3A = arith.constant 0 : i32
      %dma_wait3A_35 = tpu.memref_slice %arg3[%dma_wait3A] : memref<320000xi32, #tpu.memory_space<hbm>> -> memref<128xi32, #tpu.memory_space<hbm>>
      %dma_wait3A_36 = arith.constant 0 : i32
      %dma_wait3A_37 = tpu.memref_slice %arg3[%dma_wait3A_36] : memref<320000xi32, #tpu.memory_space<hbm>> -> memref<128xi32, #tpu.memory_space<hbm>>
      tpu.wait_dma2 semaphore(%arg15 : memref<!tpu.dma_semaphore, #tpu.memory_space<semaphore_mem>>) src(%dma_wait3A_37 : memref<128xi32, #tpu.memory_space<hbm>>) dst(%arg6 : memref<128xi32, #tpu.memory_space<vmem>>)
      %dma_wait3A_38 = arith.constant 0 : i32
      %dma_wait3A_39 = tpu.memref_slice %arg4[%dma_wait3A_38] : memref<320000xi32, #tpu.memory_space<hbm>> -> memref<128xi32, #tpu.memory_space<hbm>>
      %dma_wait3A_40 = arith.constant 0 : i32
      %dma_wait3A_41 = tpu.memref_slice %arg4[%dma_wait3A_40] : memref<320000xi32, #tpu.memory_space<hbm>> -> memref<128xi32, #tpu.memory_space<hbm>>
      tpu.wait_dma2 semaphore(%arg15 : memref<!tpu.dma_semaphore, #tpu.memory_space<semaphore_mem>>) src(%dma_wait3A_41 : memref<128xi32, #tpu.memory_space<hbm>>) dst(%arg7 : memref<128xi32, #tpu.memory_space<vmem>>)
      %dma_start3A = arith.constant 0 : i32
      %dma_start3A_42 = arith.constant 0 : i32
      %dma_start3A_43 = tpu.memref_slice %arg2[%dma_start3A, %dma_start3A_42] : memref<10000x128xf32, #tpu.memory_space<hbm>> -> memref<10000x128xf32, #tpu.memory_space<hbm>>
      tpu.enqueue_indirect_dma source(%dma_start3A_43 : memref<10000x128xf32, #tpu.memory_space<hbm>>) target(%arg10 : memref<128x128xf32, #tpu.memory_space<vmem>>) offsets(%arg6 : memref<128xi32, #tpu.memory_space<vmem>>) semaphore(%arg13 : memref<!tpu.dma_semaphore, #tpu.memory_space<semaphore_mem>>)
    } else {
    }
    %scan3A_25 = arith.constant 0 : i32
    %scan3A_26 = arith.constant 40 : i32
    %scan3A_27 = arith.addi %scan3A_25, %scan3A_26 : i32
    %scan3A_28 = arith.constant 1 : i32
    scf.for %scan3A_35 = %scan3A_25 to %scan3A_27 step %scan3A_28  : i32 {
      %mul3A_36 = arith.constant 2 : i32
      %mul3A_37 = arith.muli %scan3A_35, %mul3A_36 : i32
      %add3A_38 = arith.constant 0 : i32
      %add3A_39 = arith.addi %add3A_38, %mul3A_37 : i32
      %mul3A_40 = arith.constant 32 : i32
      %mul3A_41 = arith.muli %add3A_39, %mul3A_40 : i32
      %add3A_42 = arith.addi %add3A, %mul3A_41 : i32
      %add3A_43 = arith.constant 32 : i32
      %add3A_44 = arith.addi %add3A_42, %add3A_43 : i32
      %add3A_45 = arith.constant 32 : i32
      %add3A_46 = arith.addi %add3A_44, %add3A_45 : i32
      %add3A_47 = arith.constant 32 : i32
      %add3A_48 = arith.addi %add3A_46, %add3A_47 : i32
      %lt3A_49 = arith.constant 2500 : i32
      %lt3A_50 = arith.cmpi slt, %add3A_44, %lt3A_49 : i32
      %convert_element_type3A_51 = arith.extui %lt3A_50 : i1 to i32
      %cond3A_52 = arith.constant 0 : i32
      %cond3A_53 = arith.cmpi ne, %convert_element_type3A_51, %cond3A_52 : i32
      scf.if %cond3A_53 {
        %dma_wait3A = arith.constant 0 : i32
        %dma_wait3A_74 = tpu.memref_slice %arg3[%dma_wait3A] : memref<320000xi32, #tpu.memory_space<hbm>> -> memref<128xi32, #tpu.memory_space<hbm>>
        %dma_wait3A_75 = arith.constant 0 : i32
        %dma_wait3A_76 = tpu.memref_slice %arg3[%dma_wait3A_75] : memref<320000xi32, #tpu.memory_space<hbm>> -> memref<128xi32, #tpu.memory_space<hbm>>
        tpu.wait_dma2 semaphore(%arg16 : memref<!tpu.dma_semaphore, #tpu.memory_space<semaphore_mem>>) src(%dma_wait3A_76 : memref<128xi32, #tpu.memory_space<hbm>>) dst(%arg8 : memref<128xi32, #tpu.memory_space<vmem>>)
        %dma_wait3A_77 = arith.constant 0 : i32
        %dma_wait3A_78 = tpu.memref_slice %arg4[%dma_wait3A_77] : memref<320000xi32, #tpu.memory_space<hbm>> -> memref<128xi32, #tpu.memory_space<hbm>>
        %dma_wait3A_79 = arith.constant 0 : i32
        %dma_wait3A_80 = tpu.memref_slice %arg4[%dma_wait3A_79] : memref<320000xi32, #tpu.memory_space<hbm>> -> memref<128xi32, #tpu.memory_space<hbm>>
        tpu.wait_dma2 semaphore(%arg16 : memref<!tpu.dma_semaphore, #tpu.memory_space<semaphore_mem>>) src(%dma_wait3A_80 : memref<128xi32, #tpu.memory_space<hbm>>) dst(%arg9 : memref<128xi32, #tpu.memory_space<vmem>>)
        %dma_start3A = arith.constant 0 : i32
        %dma_start3A_81 = arith.constant 0 : i32
        %dma_start3A_82 = tpu.memref_slice %arg2[%dma_start3A, %dma_start3A_81] : memref<10000x128xf32, #tpu.memory_space<hbm>> -> memref<10000x128xf32, #tpu.memory_space<hbm>>
        tpu.enqueue_indirect_dma source(%dma_start3A_82 : memref<10000x128xf32, #tpu.memory_space<hbm>>) target(%arg11 : memref<128x128xf32, #tpu.memory_space<vmem>>) offsets(%arg8 : memref<128xi32, #tpu.memory_space<vmem>>) semaphore(%arg14 : memref<!tpu.dma_semaphore, #tpu.memory_space<semaphore_mem>>)
      } else {
      }
      %lt3A_54 = arith.constant 2500 : i32
      %lt3A_55 = arith.cmpi slt, %add3A_42, %lt3A_54 : i32
      %convert_element_type3A_56 = arith.extui %lt3A_55 : i1 to i32
      %cond3A_57 = arith.constant 0 : i32
      %cond3A_58 = arith.cmpi ne, %convert_element_type3A_56, %cond3A_57 : i32
      scf.if %cond3A_58 {
        %dma_wait3A = arith.constant 0 : i32
        %dma_wait3A_74 = arith.constant 0 : i32
        %dma_wait3A_75 = tpu.memref_slice %arg2[%dma_wait3A, %dma_wait3A_74] : memref<10000x128xf32, #tpu.memory_space<hbm>> -> memref<10000x128xf32, #tpu.memory_space<hbm>>
        tpu.wait_indirect_dma semaphore(%arg13 : memref<!tpu.dma_semaphore, #tpu.memory_space<semaphore_mem>>) src(%dma_wait3A_75 : memref<10000x128xf32, #tpu.memory_space<hbm>>) dst(%arg10 : memref<128x128xf32, #tpu.memory_space<vmem>>)
        "tpu.region"() ({
          %run_scoped3A = tpu.sem_alloc : memref<!tpu.dma_semaphore, #tpu.memory_space<semaphore_mem>>
          %dma_start3A = arith.constant 0 : i32
          %dma_start3A_76 = arith.constant 0 : i32
          %dma_start3A_77 = tpu.memref_slice %arg12[%dma_start3A, %dma_start3A_76] : memref<10240x128xf32, #tpu.memory_space<vmem_shared>> -> memref<10240x128xf32, #tpu.memory_space<vmem_shared>>
          tpu.enqueue_indirect_dma source(%arg10 : memref<128x128xf32, #tpu.memory_space<vmem>>) target(%dma_start3A_77 : memref<10240x128xf32, #tpu.memory_space<vmem_shared>>) offsets(%arg7 : memref<128xi32, #tpu.memory_space<vmem>>) semaphore(%run_scoped3A : memref<!tpu.dma_semaphore, #tpu.memory_space<semaphore_mem>>) {add = true}
          %dma_wait3A_78 = arith.constant 0 : i32
          %dma_wait3A_79 = arith.constant 0 : i32
          %dma_wait3A_80 = tpu.memref_slice %arg12[%dma_wait3A_78, %dma_wait3A_79] : memref<10240x128xf32, #tpu.memory_space<vmem_shared>> -> memref<10240x128xf32, #tpu.memory_space<vmem_shared>>
          tpu.wait_indirect_dma semaphore(%run_scoped3A : memref<!tpu.dma_semaphore, #tpu.memory_space<semaphore_mem>>) src(%arg10 : memref<128x128xf32, #tpu.memory_space<vmem>>) dst(%dma_wait3A_80 : memref<10240x128xf32, #tpu.memory_space<vmem_shared>>)
          tpu.yield
        }) : () -> ()
      } else {
      }
      %lt3A_59 = arith.constant 2500 : i32
      %lt3A_60 = arith.cmpi slt, %add3A_46, %lt3A_59 : i32
      %convert_element_type3A_61 = arith.extui %lt3A_60 : i1 to i32
      %cond3A_62 = arith.constant 0 : i32
      %cond3A_63 = arith.cmpi ne, %convert_element_type3A_61, %cond3A_62 : i32
      scf.if %cond3A_63 {
        %mul3A_74 = arith.constant 128 : i32
        %mul3A_75 = arith.muli %add3A_46, %mul3A_74 : i32
        %dma_start3A = tpu.memref_slice %arg3[%mul3A_75] : memref<320000xi32, #tpu.memory_space<hbm>> -> memref<128xi32, #tpu.memory_space<hbm>>
        %dma_start3A_76 = tpu.memref_slice %arg3[%mul3A_75] : memref<320000xi32, #tpu.memory_space<hbm>> -> memref<128xi32, #tpu.memory_space<hbm>>
        tpu.enqueue_dma source(%dma_start3A_76 : memref<128xi32, #tpu.memory_space<hbm>>) target(%arg6 : memref<128xi32, #tpu.memory_space<vmem>>) target_semaphore(%arg15 : memref<!tpu.dma_semaphore, #tpu.memory_space<semaphore_mem>>)
        %mul3A_77 = arith.constant 128 : i32
        %mul3A_78 = arith.muli %add3A_46, %mul3A_77 : i32
        %dma_start3A_79 = tpu.memref_slice %arg4[%mul3A_78] : memref<320000xi32, #tpu.memory_space<hbm>> -> memref<128xi32, #tpu.memory_space<hbm>>
        %dma_start3A_80 = tpu.memref_slice %arg4[%mul3A_78] : memref<320000xi32, #tpu.memory_space<hbm>> -> memref<128xi32, #tpu.memory_space<hbm>>
        tpu.enqueue_dma source(%dma_start3A_80 : memref<128xi32, #tpu.memory_space<hbm>>) target(%arg7 : memref<128xi32, #tpu.memory_space<vmem>>) target_semaphore(%arg15 : memref<!tpu.dma_semaphore, #tpu.memory_space<semaphore_mem>>)
        %dma_wait3A = arith.constant 0 : i32
        %dma_wait3A_81 = tpu.memref_slice %arg3[%dma_wait3A] : memref<320000xi32, #tpu.memory_space<hbm>> -> memref<128xi32, #tpu.memory_space<hbm>>
        %dma_wait3A_82 = arith.constant 0 : i32
        %dma_wait3A_83 = tpu.memref_slice %arg3[%dma_wait3A_82] : memref<320000xi32, #tpu.memory_space<hbm>> -> memref<128xi32, #tpu.memory_space<hbm>>
        tpu.wait_dma2 semaphore(%arg15 : memref<!tpu.dma_semaphore, #tpu.memory_space<semaphore_mem>>) src(%dma_wait3A_83 : memref<128xi32, #tpu.memory_space<hbm>>) dst(%arg6 : memref<128xi32, #tpu.memory_space<vmem>>)
        %dma_wait3A_84 = arith.constant 0 : i32
        %dma_wait3A_85 = tpu.memref_slice %arg4[%dma_wait3A_84] : memref<320000xi32, #tpu.memory_space<hbm>> -> memref<128xi32, #tpu.memory_space<hbm>>
        %dma_wait3A_86 = arith.constant 0 : i32
        %dma_wait3A_87 = tpu.memref_slice %arg4[%dma_wait3A_86] : memref<320000xi32, #tpu.memory_space<hbm>> -> memref<128xi32, #tpu.memory_space<hbm>>
        tpu.wait_dma2 semaphore(%arg15 : memref<!tpu.dma_semaphore, #tpu.memory_space<semaphore_mem>>) src(%dma_wait3A_87 : memref<128xi32, #tpu.memory_space<hbm>>) dst(%arg7 : memref<128xi32, #tpu.memory_space<vmem>>)
        %dma_start3A_88 = arith.constant 0 : i32
        %dma_start3A_89 = arith.constant 0 : i32
        %dma_start3A_90 = tpu.memref_slice %arg2[%dma_start3A_88, %dma_start3A_89] : memref<10000x128xf32, #tpu.memory_space<hbm>> -> memref<10000x128xf32, #tpu.memory_space<hbm>>
        tpu.enqueue_indirect_dma source(%dma_start3A_90 : memref<10000x128xf32, #tpu.memory_space<hbm>>) target(%arg10 : memref<128x128xf32, #tpu.memory_space<vmem>>) offsets(%arg6 : memref<128xi32, #tpu.memory_space<vmem>>) semaphore(%arg13 : memref<!tpu.dma_semaphore, #tpu.memory_space<semaphore_mem>>)
      } else {
      }
      %lt3A_64 = arith.constant 2500 : i32
      %lt3A_65 = arith.cmpi slt, %add3A_44, %lt3A_64 : i32
      %convert_element_type3A_66 = arith.extui %lt3A_65 : i1 to i32
      %cond3A_67 = arith.constant 0 : i32
      %cond3A_68 = arith.cmpi ne, %convert_element_type3A_66, %cond3A_67 : i32
      scf.if %cond3A_68 {
        %dma_wait3A = arith.constant 0 : i32
        %dma_wait3A_74 = arith.constant 0 : i32
        %dma_wait3A_75 = tpu.memref_slice %arg2[%dma_wait3A, %dma_wait3A_74] : memref<10000x128xf32, #tpu.memory_space<hbm>> -> memref<10000x128xf32, #tpu.memory_space<hbm>>
        tpu.wait_indirect_dma semaphore(%arg14 : memref<!tpu.dma_semaphore, #tpu.memory_space<semaphore_mem>>) src(%dma_wait3A_75 : memref<10000x128xf32, #tpu.memory_space<hbm>>) dst(%arg11 : memref<128x128xf32, #tpu.memory_space<vmem>>)
        "tpu.region"() ({
          %run_scoped3A = tpu.sem_alloc : memref<!tpu.dma_semaphore, #tpu.memory_space<semaphore_mem>>
          %dma_start3A = arith.constant 0 : i32
          %dma_start3A_76 = arith.constant 0 : i32
          %dma_start3A_77 = tpu.memref_slice %arg12[%dma_start3A, %dma_start3A_76] : memref<10240x128xf32, #tpu.memory_space<vmem_shared>> -> memref<10240x128xf32, #tpu.memory_space<vmem_shared>>
          tpu.enqueue_indirect_dma source(%arg11 : memref<128x128xf32, #tpu.memory_space<vmem>>) target(%dma_start3A_77 : memref<10240x128xf32, #tpu.memory_space<vmem_shared>>) offsets(%arg9 : memref<128xi32, #tpu.memory_space<vmem>>) semaphore(%run_scoped3A : memref<!tpu.dma_semaphore, #tpu.memory_space<semaphore_mem>>) {add = true}
          %dma_wait3A_78 = arith.constant 0 : i32
          %dma_wait3A_79 = arith.constant 0 : i32
          %dma_wait3A_80 = tpu.memref_slice %arg12[%dma_wait3A_78, %dma_wait3A_79] : memref<10240x128xf32, #tpu.memory_space<vmem_shared>> -> memref<10240x128xf32, #tpu.memory_space<vmem_shared>>
          tpu.wait_indirect_dma semaphore(%run_scoped3A : memref<!tpu.dma_semaphore, #tpu.memory_space<semaphore_mem>>) src(%arg11 : memref<128x128xf32, #tpu.memory_space<vmem>>) dst(%dma_wait3A_80 : memref<10240x128xf32, #tpu.memory_space<vmem_shared>>)
          tpu.yield
        }) : () -> ()
      } else {
      }
      %lt3A_69 = arith.constant 2500 : i32
      %lt3A_70 = arith.cmpi slt, %add3A_48, %lt3A_69 : i32
      %convert_element_type3A_71 = arith.extui %lt3A_70 : i1 to i32
      %cond3A_72 = arith.constant 0 : i32
      %cond3A_73 = arith.cmpi ne, %convert_element_type3A_71, %cond3A_72 : i32
      scf.if %cond3A_73 {
        %mul3A_74 = arith.constant 128 : i32
        %mul3A_75 = arith.muli %add3A_48, %mul3A_74 : i32
        %dma_start3A = tpu.memref_slice %arg3[%mul3A_75] : memref<320000xi32, #tpu.memory_space<hbm>> -> memref<128xi32, #tpu.memory_space<hbm>>
        %dma_start3A_76 = tpu.memref_slice %arg3[%mul3A_75] : memref<320000xi32, #tpu.memory_space<hbm>> -> memref<128xi32, #tpu.memory_space<hbm>>
        tpu.enqueue_dma source(%dma_start3A_76 : memref<128xi32, #tpu.memory_space<hbm>>) target(%arg8 : memref<128xi32, #tpu.memory_space<vmem>>) target_semaphore(%arg16 : memref<!tpu.dma_semaphore, #tpu.memory_space<semaphore_mem>>)
        %mul3A_77 = arith.constant 128 : i32
        %mul3A_78 = arith.muli %add3A_48, %mul3A_77 : i32
        %dma_start3A_79 = tpu.memref_slice %arg4[%mul3A_78] : memref<320000xi32, #tpu.memory_space<hbm>> -> memref<128xi32, #tpu.memory_space<hbm>>
        %dma_start3A_80 = tpu.memref_slice %arg4[%mul3A_78] : memref<320000xi32, #tpu.memory_space<hbm>> -> memref<128xi32, #tpu.memory_space<hbm>>
        tpu.enqueue_dma source(%dma_start3A_80 : memref<128xi32, #tpu.memory_space<hbm>>) target(%arg9 : memref<128xi32, #tpu.memory_space<vmem>>) target_semaphore(%arg16 : memref<!tpu.dma_semaphore, #tpu.memory_space<semaphore_mem>>)
      } else {
      }
    }
    %scan3A_29 = arith.constant 40 : i32
    %barrier3A_30 = arith.constant 0 : index
    tpu.barrier barrier_id(%barrier3A_30)
    %mul3A_31 = arith.constant 640 : i32
    %mul3A_32 = arith.muli %arg1, %mul3A_31 : i32
    %mul3A_33 = arith.constant 640 : i32
    %mul3A_34 = arith.muli %arg1, %mul3A_33 : i32
    "tpu.region"() ({
      %run_scoped3A = tpu.sem_alloc : memref<!tpu.dma_semaphore, #tpu.memory_space<semaphore_mem>>
      %dma_start3A = arith.constant 0 : i32
      %dma_start3A_35 = tpu.memref_slice %arg5[%arg0, %mul3A_34, %dma_start3A] : memref<2x10240x128xf32, #tpu.memory_space<hbm>> -> memref<1x640x128xf32, #tpu.memory_space<hbm>>
      %dma_start3A_36 = tpu.memref_squeeze %dma_start3A_35 : memref<1x640x128xf32, #tpu.memory_space<hbm>> -> memref<640x128xf32, #tpu.memory_space<hbm>>
      %dma_start3A_37 = arith.constant 0 : i32
      %dma_start3A_38 = tpu.memref_slice %arg12[%mul3A_32, %dma_start3A_37] : memref<10240x128xf32, #tpu.memory_space<vmem_shared>> -> memref<640x128xf32, #tpu.memory_space<vmem_shared>>
      tpu.enqueue_dma source(%dma_start3A_38 : memref<640x128xf32, #tpu.memory_space<vmem_shared>>) target(%dma_start3A_36 : memref<640x128xf32, #tpu.memory_space<hbm>>) target_semaphore(%run_scoped3A : memref<!tpu.dma_semaphore, #tpu.memory_space<semaphore_mem>>)
      %dma_wait3A = arith.constant 0 : i32
      %dma_wait3A_39 = tpu.memref_slice %arg5[%arg0, %mul3A_34, %dma_wait3A] : memref<2x10240x128xf32, #tpu.memory_space<hbm>> -> memref<1x640x128xf32, #tpu.memory_space<hbm>>
      %dma_wait3A_40 = tpu.memref_squeeze %dma_wait3A_39 : memref<1x640x128xf32, #tpu.memory_space<hbm>> -> memref<640x128xf32, #tpu.memory_space<hbm>>
      %dma_wait3A_41 = arith.constant 0 : i32
      %dma_wait3A_42 = tpu.memref_slice %arg12[%mul3A_32, %dma_wait3A_41] : memref<10240x128xf32, #tpu.memory_space<vmem_shared>> -> memref<640x128xf32, #tpu.memory_space<vmem_shared>>
      tpu.wait_dma2 semaphore(%run_scoped3A : memref<!tpu.dma_semaphore, #tpu.memory_space<semaphore_mem>>) src(%dma_wait3A_42 : memref<640x128xf32, #tpu.memory_space<vmem_shared>>) dst(%dma_wait3A_40 : memref<640x128xf32, #tpu.memory_space<hbm>>)
      tpu.yield
    }) : () -> ()
    return
  }
}

module attributes {stable_mosaic.version = 14 : i64} {
  func.func @body(%arg0: i32, %arg1: memref<1000x128xf32, #tpu.memory_space<vmem>>, %arg2: memref<128x128xf32, #tpu.memory_space<vmem>>, %arg3: memref<2x1000x16xf32, #tpu.memory_space<vmem>>, %arg4: memref<1000x128xf32, #tpu.memory_space<vmem>>) attributes {dimension_semantics = [#tpu.dimension_semantics<arbitrary>], iteration_bounds = array<i64: 10>, scalar_prefetch = 0 : i64, scratch_operands = 0 : i64, tpu.core_type = #tpu.core_type<tc>, window_params = [{transform_indices = @transform_0, window_bounds = array<i64: 1000, 128>}, {pipeline_mode = #tpu.pipeline_mode<synchronous>, transform_indices = @transform_1, window_bounds = array<i64: 128, 128>}, {transform_indices = @transform_2, window_bounds = array<i64: 2, 1000, 16>}, {transform_indices = @transform_3, window_bounds = array<i64: 1000, 128>}]} {
    %get3A = arith.constant 0 : index
    %get3A_0 = arith.constant 0 : index
    %get3A_1 = vector.load %arg1[%get3A, %get3A_0] : memref<1000x128xf32, #tpu.memory_space<vmem>>, vector<1000x128xf32>
    %get3A_2 = arith.constant 0 : index
    %get3A_3 = arith.constant 0 : index
    %get3A_4 = vector.load %arg2[%get3A_2, %get3A_3] : memref<128x128xf32, #tpu.memory_space<vmem>>, vector<128x128xf32>
    %dot_general3A = arith.constant dense<0.000000e+00> : vector<1000x128xf32>
    %dot_general3A_5 = tpu.matmul %get3A_1, %get3A_4, %dot_general3A {dimension_numbers = #tpu.dot_dimension_numbers<[1], [1], [0], [0], [0, 0, 1, 0], [], []>, precision = #tpu.contract_precision<fp32>, transpose_lhs_hint = false} : vector<1000x128xf32>, vector<128x128xf32>, vector<1000x128xf32> -> vector<1000x128xf32>
    %get3A_6 = arith.constant 0 : index
    %get3A_7 = arith.constant 0 : index
    %get3A_8 = arith.constant 0 : index
    %get3A_9 = vector.load %arg3[%get3A_6, %get3A_7, %get3A_8] : memref<2x1000x16xf32, #tpu.memory_space<vmem>>, vector<1x1000x1xf32>
    %get3A_10 = vector.shape_cast %get3A_9 : vector<1x1000x1xf32> to vector<1000xf32>
    %add3A = arith.constant 1.000000e+00 : f32
    %add3A_11 = vector.broadcast %add3A : f32 to vector<1000xf32>
    %add3A_12 = arith.addf %add3A_11, %get3A_10 : vector<1000xf32>
    %get3A_13 = arith.constant 1 : index
    %get3A_14 = arith.constant 0 : index
    %get3A_15 = arith.constant 0 : index
    %get3A_16 = vector.load %arg3[%get3A_13, %get3A_14, %get3A_15] : memref<2x1000x16xf32, #tpu.memory_space<vmem>>, vector<1x1000x1xf32>
    %get3A_17 = vector.shape_cast %get3A_16 : vector<1x1000x1xf32> to vector<1000xf32>
    %add3A_18 = arith.addf %add3A_12, %get3A_17 : vector<1000xf32>
    %rsqrt3A = math.rsqrt %add3A_18 : vector<1000xf32>
    %broadcast_in_dim3A = vector.shape_cast %rsqrt3A : vector<1000xf32> to vector<1000x1xf32>
    %mul3A = vector.broadcast %broadcast_in_dim3A : vector<1000x1xf32> to vector<1000x128xf32>
    %mul3A_19 = arith.mulf %dot_general3A_5, %mul3A : vector<1000x128xf32>
    %swap3A = arith.constant 0 : index
    %swap3A_20 = arith.constant 0 : index
    %swap3A_21 = vector.load %arg4[%swap3A, %swap3A_20] : memref<1000x128xf32, #tpu.memory_space<vmem>>, vector<1000x128xf32>
    tpu.vector_store %arg4[%swap3A, %swap3A_20], %mul3A_19 {strides = array<i32>} : memref<1000x128xf32, #tpu.memory_space<vmem>>, vector<1000x128xf32>,
    return
  }
  func.func @transform_0(%arg0: i32) -> (i32, i32) {
    %c0_i32 = arith.constant 0 : i32
    %c0_i32_0 = arith.constant 0 : i32
    return %arg0, %c0_i32 : i32, i32
  }
  func.func @transform_1(%arg0: i32) -> (i32, i32) {
    %c0_i32 = arith.constant 0 : i32
    %c0_i32_0 = arith.constant 0 : i32
    %c0_i32_1 = arith.constant 0 : i32
    return %c0_i32, %c0_i32_0 : i32, i32
  }
  func.func @transform_2(%arg0: i32) -> (i32, i32, i32) {
    %c0_i32 = arith.constant 0 : i32
    %c0_i32_0 = arith.constant 0 : i32
    %c0_i32_1 = arith.constant 0 : i32
    return %c0_i32, %arg0, %c0_i32_0 : i32, i32, i32
  }
  func.func @transform_3(%arg0: i32) -> (i32, i32) {
    %c0_i32 = arith.constant 0 : i32
    %c0_i32_0 = arith.constant 0 : i32
    return %arg0, %c0_i32 : i32, i32
  }
}

module attributes {stable_mosaic.version = 14 : i64} {
  func.func @body(%arg0: i32, %arg1: memref<2x1000x128xf32, #tpu.memory_space<vmem>>, %arg2: memref<2x1000x16xf32, #tpu.memory_space<vmem>>, %arg3: memref<1000x128xf32, #tpu.memory_space<vmem>>, %arg4: memref<1000x128xf32, #tpu.memory_space<vmem>>) attributes {dimension_semantics = [#tpu.dimension_semantics<arbitrary>], iteration_bounds = array<i64: 10>, scalar_prefetch = 0 : i64, scratch_operands = 0 : i64, tpu.core_type = #tpu.core_type<tc>, window_params = [{transform_indices = @transform_0, window_bounds = array<i64: 2, 1000, 128>}, {transform_indices = @transform_1, window_bounds = array<i64: 2, 1000, 16>}, {transform_indices = @transform_2, window_bounds = array<i64: 1000, 128>}, {transform_indices = @transform_3, window_bounds = array<i64: 1000, 128>}]} {
    %get3A = arith.constant 0 : index
    %get3A_0 = arith.constant 0 : index
    %get3A_1 = arith.constant 0 : index
    %get3A_2 = vector.load %arg2[%get3A, %get3A_0, %get3A_1] : memref<2x1000x16xf32, #tpu.memory_space<vmem>>, vector<1x1000x1xf32>
    %get3A_3 = vector.shape_cast %get3A_2 : vector<1x1000x1xf32> to vector<1000xf32>
    %add3A = arith.constant 1.000000e+00 : f32
    %add3A_4 = vector.broadcast %add3A : f32 to vector<1000xf32>
    %add3A_5 = arith.addf %add3A_4, %get3A_3 : vector<1000xf32>
    %get3A_6 = arith.constant 1 : index
    %get3A_7 = arith.constant 0 : index
    %get3A_8 = arith.constant 0 : index
    %get3A_9 = vector.load %arg2[%get3A_6, %get3A_7, %get3A_8] : memref<2x1000x16xf32, #tpu.memory_space<vmem>>, vector<1x1000x1xf32>
    %get3A_10 = vector.shape_cast %get3A_9 : vector<1x1000x1xf32> to vector<1000xf32>
    %add3A_11 = arith.addf %add3A_5, %get3A_10 : vector<1000xf32>
    %get3A_12 = arith.constant 0 : index
    %get3A_13 = arith.constant 0 : index
    %get3A_14 = arith.constant 0 : index
    %get3A_15 = vector.load %arg1[%get3A_12, %get3A_13, %get3A_14] : memref<2x1000x128xf32, #tpu.memory_space<vmem>>, vector<1x1000x128xf32>
    %get3A_16 = vector.shape_cast %get3A_15 : vector<1x1000x128xf32> to vector<1000x128xf32>
    %get3A_17 = arith.constant 1 : index
    %get3A_18 = arith.constant 0 : index
    %get3A_19 = arith.constant 0 : index
    %get3A_20 = vector.load %arg1[%get3A_17, %get3A_18, %get3A_19] : memref<2x1000x128xf32, #tpu.memory_space<vmem>>, vector<1x1000x128xf32>
    %get3A_21 = vector.shape_cast %get3A_20 : vector<1x1000x128xf32> to vector<1000x128xf32>
    %add3A_22 = arith.addf %get3A_16, %get3A_21 : vector<1000x128xf32>
    %get3A_23 = arith.constant 0 : index
    %get3A_24 = arith.constant 0 : index
    %get3A_25 = vector.load %arg3[%get3A_23, %get3A_24] : memref<1000x128xf32, #tpu.memory_space<vmem>>, vector<1000x128xf32>
    %add3A_26 = arith.addf %add3A_22, %get3A_25 : vector<1000x128xf32>
    %rsqrt3A = math.rsqrt %add3A_11 : vector<1000xf32>
    %broadcast_in_dim3A = vector.shape_cast %rsqrt3A : vector<1000xf32> to vector<1000x1xf32>
    %mul3A = vector.broadcast %broadcast_in_dim3A : vector<1000x1xf32> to vector<1000x128xf32>
    %mul3A_27 = arith.mulf %add3A_26, %mul3A : vector<1000x128xf32>
    %max3A = arith.constant 0.000000e+00 : f32
    %max3A_28 = vector.broadcast %max3A : f32 to vector<1000x128xf32>
    %max3A_29 = arith.maximumf %mul3A_27, %max3A_28 : vector<1000x128xf32>
    %swap3A = arith.constant 0 : index
    %swap3A_30 = arith.constant 0 : index
    %swap3A_31 = vector.load %arg4[%swap3A, %swap3A_30] : memref<1000x128xf32, #tpu.memory_space<vmem>>, vector<1000x128xf32>
    tpu.vector_store %arg4[%swap3A, %swap3A_30], %max3A_29 {strides = array<i32>} : memref<1000x128xf32, #tpu.memory_space<vmem>>, vector<1000x128xf32>,
    return
  }
  func.func @transform_0(%arg0: i32) -> (i32, i32, i32) {
    %c0_i32 = arith.constant 0 : i32
    %c0_i32_0 = arith.constant 0 : i32
    %c0_i32_1 = arith.constant 0 : i32
    return %c0_i32, %arg0, %c0_i32_0 : i32, i32, i32
  }
  func.func @transform_1(%arg0: i32) -> (i32, i32, i32) {
    %c0_i32 = arith.constant 0 : i32
    %c0_i32_0 = arith.constant 0 : i32
    %c0_i32_1 = arith.constant 0 : i32
    return %c0_i32, %arg0, %c0_i32_0 : i32, i32, i32
  }
  func.func @transform_2(%arg0: i32) -> (i32, i32) {
    %c0_i32 = arith.constant 0 : i32
    %c0_i32_0 = arith.constant 0 : i32
    return %arg0, %c0_i32 : i32, i32
  }
  func.func @transform_3(%arg0: i32) -> (i32, i32) {
    %c0_i32 = arith.constant 0 : i32
    %c0_i32_0 = arith.constant 0 : i32
    return %arg0, %c0_i32 : i32, i32
  }
}

</mosaic_0001>

<sc_bundles>
// kernel: kernel.6.cloned.1.call-start
scs
__scs_entry_jumppad:
0x0: {  	(pc) =	sbr.rel $0x88, $3  }
0x1: {  	(tag) =	ssettag $0x0;
	lr =	simm.s32 $0x1  }
0x2: {  	[smem:$0x3F9E] =	sst lr;
	_ =	strace $0xD0000000  }
0x3: {  	_ = 	snop  }
0x4: {  	_ = 	snop  }
0x5: {  	_ = 	snop  }
0x6: {  	_ = 	snop  }
0x7: {  	_ = 	snop  }
__scs_overlays_trampoline_lowered:
0x8: {  	[smem:$0x3FAD] =	sst s0  }
0x9: {  	[smem:$0x3FAE] =	sst s1  }
0xa: {  	[smem:$0x3FAF] =	sst s2  }
0xb: {  	[smem:$0x3FB0] =	sst s3  }
0xc: {  	[smem:$0x3FB1] =	sst s4  }
0xd: {  	[smem:$0x3FB2] =	sst s5  }
0xe: {  	[smem:$0x3FB3] =	sst s6  }
0xf: {  	[smem:$0x3FB4] =	sst s7  }
0x10: {  	[smem:$0x3FB5] =	sst s8  }
0x11: {  	[smem:$0x3FB6] =	sst s9;
	s0 =	simm.s32 @!p0 $0x0  }
0x12: {  	s1 =	sld [smem:$0x3F9C];
	s0 =	simm.s32 @p0 $0x1  }
0x13: {  	[smem:$0x3FB7] =	sst s0;
	s0 =	simm.s32 @!p1 $0x0  }
0x14: {  	s2 =	sld [smem:$0x3F9B];
	s0 =	simm.s32 @p1 $0x1  }
0x15: {  	[smem:$0x3FB8] =	sst s0;
	s0 =	simm.s32 @!p2 $0x0  }
0x16: {  	s3 =	sld [smem:$0x3FDB];
	s0 =	simm.s32 @p2 $0x1  }
0x17: {  	s4 =	simm.s32 $0x1BF5;
	[smem:$0x3FBA] =	sst s0  }
0x18: {  	s0 =	sld [smem:$0x3F9D];
	_ =	swait.ge [sflag:s4], $0x0  }
0x19: {  	s7 =	sld [smem:$0x3F9E]  }
0x1a: {  	s8 =	sadd.s32 $0xFFFFE003, lr  }
0x1b: {  	s9 =	sadd.s32 $0xFFFFFEF7, lr;
	s5 =	simm.s32 $0xFFFFFFFF;
	p2 =	slt.u32 s8, $0xFFFFF086  }
0x1c: {  	p1 =	slt.u32 s9, $0xF7A;
	s5 =	simm.s32 @!p2 $0x0  }
0x1d: {  	s5 =	simm.s32 @p1 $0x1;
	p0 =	seq.s32 s7, s2  }
0x1e: {  	s7 =	smul.u32 @!p0 $0xF7A, s2;
	p2 =	seq.s32 @!p0 s5, $0x0  }
0x1f: {  	s9 =	smul.u32 $0xF7A, s1;
	s8 =	simm.s32 @!p0 $0x1BF5;
	p2 =	por !p2, p0  }
0x20: {  	[sflag:s8] =	ssyncset.s32 @!p0 $0xFFFFF086;
	s6 =	sadd.s32 @!p0 s3, s7;
	s7 =	simm.s32 @!p0 $0x108  }
0x21: {  	s3 =	sadd.s32 s3, s9;
	s6 =	sadd.s32 @!p0 $0x88, s6;
	s7 =	simm.s32 @p2 $0x1082  }
0x22: {  	[simem:s7], [sflag:s8] =	dma.local @!p0 [hbm:s6], $0xF7A  }
0x23: {  	s9 =	sor.u32 $0xD0000000, s2;
	s6 =	simm.s32 $0x108;
	_ =	swait.ge @!p0 [sflag:s8], $0x0  }
0x24: {  	s3 =	sadd.s32 $0x88, s3;
	s6 =	simm.s32 @!p1 $0x1082;
	[sflag:s4] =	ssyncset.s32 $0xFFFFF086  }
0x25: {  	[simem:s6], [sflag:s4] =	dma.local [hbm:s3], $0xF7A  }
0x26: {  	[smem:$0x3F9E] =	sst s1;
	(tag) =	ssettag s2;
	_ =	strace s9  }
0x27: {  	s1 =	sld [smem:$0x3FAE]  }
0x28: {  	s2 =	sld [smem:$0x3FAF]  }
0x29: {  	s4 =	sld [smem:$0x3FB1]  }
0x2a: {  	p0 =	seq.s32 s5, $0x0;
	s5 =	sld [smem:$0x3FB2]  }
0x2b: {  	s6 =	sld [smem:$0x3FB3]  }
0x2c: {  	s7 =	sld [smem:$0x3FB4]  }
0x2d: {  	s3 =	simm.s32 $0x108;
	s8 =	sld [smem:$0x3FB5]  }
0x2e: {  	s3 =	simm.s32 @!p0 $0x1082;
	s9 =	sld [smem:$0x3FB6]  }
0x2f: {  	lr =	sadd.s32 s0, s3;
	s0 =	sld [smem:$0x3FAD]  }
0x30: {  	s3 =	sld [smem:$0x3FB0]  }
0x31: {  	[smem:$0x3FB9] =	sst s10  }
0x32: {  	s10 =	sld [smem:$0x3FB7];
	_ =	sdelay $0x3  }
0x33: {  	p0 =	seq.s32 s10, $0x1;
	s10 =	sld [smem:$0x3FB9];
	_ =	sdelay $0x3  }
0x34: {  	[smem:$0x3FB9] =	sst s10  }
0x35: {  	s10 =	sld [smem:$0x3FB8];
	_ =	sdelay $0x3  }
0x36: {  	p1 =	seq.s32 s10, $0x1;
	s10 =	sld [smem:$0x3FB9];
	_ =	sdelay $0x3  }
0x37: {  	[smem:$0x3FB9] =	sst s10  }
0x38: {  	s10 =	sld [smem:$0x3FBA]  }
0x39: {  	_ = 	snop;
	(pc) =	sbr.ind lr, $3  }
0x3a: {  	_ = 	snop  }
0x3b: {  	_ = 	snop  }
0x3c: {  	p2 =	seq.s32 s10, $0x1;
	s10 =	sld [smem:$0x3FB9]  }
0x3d: {  	_ =	shalt  }
0x3e: {  	_ =	shalt  }
0x3f: {  	_ =	shalt  }
0x40: {  	_ =	shalt  }
0x41: {  	_ =	shalt  }
0x42: {  	_ =	shalt  }
0x43: {  	_ =	shalt  }
0x44: {  	_ =	shalt  }
0x45: {  	_ =	shalt  }
0x46: {  	_ =	shalt  }
0x47: {  	_ =	shalt  }
0x48: {  	_ =	shalt  }
0x49: {  	_ =	shalt  }
0x4a: {  	_ =	shalt  }
0x4b: {  	_ =	shalt  }
0x4c: {  	_ =	shalt  }
0x4d: {  	_ =	shalt  }
0x4e: {  	_ =	shalt  }
0x4f: {  	_ =	shalt  }
0x50: {  	_ =	shalt  }
0x51: {  	_ =	shalt  }
0x52: {  	_ =	shalt  }
0x53: {  	_ =	shalt  }
0x54: {  	_ =	shalt  }
0x55: {  	_ =	shalt  }
0x56: {  	_ =	shalt  }
0x57: {  	_ =	shalt  }
0x58: {  	_ =	shalt  }
0x59: {  	_ =	shalt  }
0x5a: {  	_ =	shalt  }
0x5b: {  	_ =	shalt  }
0x5c: {  	_ =	shalt  }
0x5d: {  	_ =	shalt  }
0x5e: {  	_ =	shalt  }
0x5f: {  	_ =	shalt  }
0x60: {  	_ =	shalt  }
0x61: {  	_ =	shalt  }
0x62: {  	_ =	shalt  }
0x63: {  	_ =	shalt  }
0x64: {  	_ =	shalt  }
0x65: {  	_ =	shalt  }
0x66: {  	_ =	shalt  }
0x67: {  	_ =	shalt  }
0x68: {  	_ =	shalt  }
0x69: {  	_ =	shalt  }
0x6a: {  	_ =	shalt  }
0x6b: {  	_ =	shalt  }
0x6c: {  	_ =	shalt  }
0x6d: {  	_ =	shalt  }
0x6e: {  	_ =	shalt  }
0x6f: {  	_ =	shalt  }
0x70: {  	_ =	shalt  }
0x71: {  	_ =	shalt  }
0x72: {  	_ =	shalt  }
0x73: {  	_ =	shalt  }
0x74: {  	_ =	shalt  }
0x75: {  	_ =	shalt  }
0x76: {  	_ =	shalt  }
0x77: {  	_ =	shalt  }
0x78: {  	_ =	shalt  }
0x79: {  	_ =	shalt  }
0x7a: {  	_ =	shalt  }
0x7b: {  	_ =	shalt  }
0x7c: {  	_ =	shalt  }
0x7d: {  	_ =	shalt  }
0x7e: {  	_ =	shalt  }
0x7f: {  	_ =	shalt  }
0x80: {  	_ =	shalt  }
0x81: {  	_ =	shalt  }
0x82: {  	_ =	shalt  }
0x83: {  	_ =	shalt  }
0x84: {  	_ =	shalt  }
0x85: {  	_ =	shalt  }
0x86: {  	_ =	shalt  }
0x87: {  	_ =	shalt  }
.Lfunc_end0:
.L_simem_size_0:
called_computation_lowered:
.L_overlay_start_0:
0x88: {  	s2 =	sld [smem:$0x3FD9]  }
0x89: {  	s3 =	sld [smem:$0x3FFE];
	_ =	sdelay $0x1  }
0x8a: {  	s1 =	srdreg.scid  }
0x8b: {  	s0 =	sand.u32 $0x1, s1  }
0x8c: {  	s17 =	sshll.u32 s0, $0xA;
	s2 =	sadd.s32 s3, s2  }
0x8d: {  	s2 =	sadd.s32 s2, s17  }
0x8e: {  	[smem:$0x3FC5] =	sst s2  }
0x8f: {  	_ = 	snop  }
0x90: {  	s2 =	sld [smem:$0x3FD0];
	(tm) =	ssettm $0x1  }
0x91: {  	s18 =	sld [smem:$0x3FFB];
	_ =	sdelay $0x3  }
0x92: {  	_ =	strace s18  }
0x93: {  	s3 =	sld [smem:$0x3FFC];
	_ =	sdelay $0x3  }
0x94: {  	_ =	strace s3  }
0x95: {  	s3 =	sld [smem:$0x3FFD];
	_ =	sdelay $0x3  }
0x96: {  	_ =	strace s3  }
0x97: {  	_ =	strace $0x8FFFFFFF  }
0x98: {  	s19 =	sld [smem:$0x3FDB];
	_ =	sdelay $0x1  }
0x99: {  	s4 =	simm.s32 $_scs_section_size  }
0x9a: {  	s5 =	simm.s32 $_size__tile_overlayer_lowered;
	s6 =	simm.s32 $_tile_overlayer_lowered  }
0x9b: {  	s22 =	simm.s32 $0x1BFF;
	s21 =	sshll.u32 s6, $0x1;
	s3 =	sadd.s32 s4, s19  }
0x9c: {  	s7 =	simm.s32 $0x0;
	s20 =	sshll.u32 s5, $0x1;
	s5 =	sadd.s32 s21, s3  }
0x9d: {  	[timem:s7], [sflag:s22] =	dma.local [hbm:s5], s20  }
0x9e: {  	_ =	swait.ge [sflag:s22], s20  }
0x9f: {  	s4 =	ssub.s32 $0x0, s20;
	[sflag:s22] =	ssyncset.done $0x0  }
0xa0: {  	[sflag:s22] =	ssyncadd.s32 s4;
	_ =	sdelay $0x1  }
0xa1: {  	s23 =	simm.s32 $0x1B8B  }
0xa2: {  	_ =	swait.ge [sflag:s23], $0x1  }
0xa3: {  	[sflag:s23] =	ssyncset.done $0x0  }
0xa4: {  	s25 =	simm.s32 $0x1B8E;
	s24 =	sld [smem:$0x3FFE];
	[sflag:s23] =	ssyncadd.s32 $0xFFFFFFFF  }
0xa5: {  	s26 =	simm.s32 $execute0_lowered;
	[smem:$0x3FD2] =	sst s25  }
0xa6: {  	s5 =	sshll.u32 s26, $0x1;
	_ =	strace $0x80000046;
	[dreg:$0x1] =	wrdreg $0xFFFFFFFF  }
0xa7: {  	s28 =	simm.s32 $_size_execute0_lowered;
	s3 =	sadd.s32 s3, s5;
	[dreg:$0x0] =	wrdreg $0x0  }
0xa8: {  	s5 =	sshll.u32 s28, $0x1;
	[dreg:$0x2] =	wrdreg s3  }
0xa9: {  	[dreg:$0x3] =	wrdreg s5  }
0xaa: {  	[dreg:$0x4] =	wrdreg $0xC0  }
0xab: {  	_ =	task [dreg:s7], $0x5FFFF  }
0xac: {  	[dreg:$0x1] =	wrdreg $0xFFFFFFFF  }
0xad: {  	[dreg:$0x0] =	wrdreg $0x60  }
0xae: {  	[dreg:$0x2] =	wrdreg s2  }
0xaf: {  	[dreg:$0x3] =	wrdreg s24  }
0xb0: {  	[dreg:$0x4] =	wrdreg $0x58000  }
0xb1: {  	[dreg:$0x5] =	wrdreg $0x9  }
0xb2: {  	_ =	task.clear_ibuf [dreg:s7], $0x6FFFF;
	_ =	strace $0x90000046  }
0xb3: {  	s29 =	simm.s32 $0x9;
	_ =	strace $0x80000048  }
0xb4: {  	_ =	swait.ge [sflag:s29], $0x1  }
0xb5: {  	[sflag:s29] =	ssyncadd.s32 $0xFFFFFFFF  }
0xb6: {  	_ =	strace $0x90000048  }
0xb7: {  	_ =	sfence  }
0xb8: {  	s30 =	sld [smem:$0x0];
	_ =	sdelay $0x2  }
0xb9: {  	s31 =	sshll.u32 s1, $0xD;
	s1 =	sshrl.u32 s1, $0x2  }
0xba: {  	s3 =	sand.u32 $0x4000, s31;
	s1 =	sadd.s32 s1, s30  }
0xbb: {  	s0 =	sor.u32 s3, s0;
	s1 =	sshll.u32 s1, $0x11  }
0xbc: {  	s0 =	sor.u32 s1, s0  }
0xbd: {  	s0 =	sadd.s32 $0x8F2B, s0  }
0xbe: {  	[sflag:s0] =	ssyncadd.remote.s32 $0x1  }
0xbf: {  	_ =	sfence.sel $0xFFFF  }
0xc0: {  	[dreg:$0x0] =	wrdreg $0xFFFFFFFF;
	(pc) =	sbr.abs _section_cstart, $3  }
0xc1: {  	[dreg:$0x1] =	wrdreg $0xFFFFFFFF  }
0xc2: {  	_ =	task.clear_ibuf [dreg:s7], $0x2FFFF;
	_ =	strace $0x9FFFFFFF  }
0xc3: {  	(tm) =	ssettm $0x7FFFFFFF  }
tec
execute0_lowered:
.L_overlay_start_1:
0x0: {  	(tag) =	ssettag $0x1  }
0x1: {  	s5 =	rddreg [dreg:$0x0]  }
0x2: {  	s1 =	srdreg.scid;
	s4 =	rddreg [dreg:$0x1]  }
0x3: {  	s0 =	stileid.u32;
	s2 =	rddreg [dreg:$0x2]  }
0x4: {  	s3 =	simm.s32 $0x0;
	s11 =	simm.s32 $0x2800;
	s6 =	sand.u32 $0x1, s1  }
0x5: {  	s7 =	smul.u32 $0x2800, s0;
	s1 =	rddreg [dreg:$0x3];
	s9 =	sshll.u32 s0, $0x1  }
0x6: {  	[smem:$0x7FF] =	sst s3;
	s12 =	sshll.u32 s0, $0x6;
	s8 =	smul.u32 $0x28000, s6  }
0x7: {  	s9 =	sor.u32 s6, s9;
	s6 =	ssub.s32 $0x2, s6;
	_ =	strace $0x80000047  }
0x8: {  	s9 =	smul.u32 $0x500, s9;
	s31 =	sshrl.u32 s6, $0x1;
	s8 =	sadd.s32 s7, s8  }
0x9: {  	s12 =	sor.u32 $0x1C01, s12;
	s10 =	ssub.s32 s6, s31;
	s8 =	sshrl.u32 s8, $0x3  }
0xa: {  	s5 =	sadd.s32 s5, s9;
	s9 =	simm.s32 $0x1;
	s8 =	sadd.s32 s8, s4  }
0xb: {  	v0 =	vimm.f32 $0.0e+00;
	vm0 =	vcmask $0x300;
	s4 =	sadd.s32 s7, s2;
	s7 =	smax.u32 s10, $0x1;
	s10 =	simm.s32 $0x80  }
0xc: {  	v1 =	vsel vm0, $0x3F800000, v0;
	s6 =	sadd.s32 $0x15000, s8;
	s8 =	simm.s32 $0x3000;
	s13 =	sshrl.u32 s4, $0x3  }
.LBB2_1:
0xd: {  	s14 =	simm.s32 $0x0  }
.LBB2_2:
0xe: {  	p0 =	sne.s32 s14, $0x9FC0  }
.Ltmp0:
0xf: {  	_ = 	snop;
	(pc) =	sbr.rel @p0 .LBB2_2-.Ltmp0, $3  }
0x10: {  	_ =	sdelay $0x1  }
0x11: {  	s15 =	sshra.s32 s14, $0x2  }
0x12: {  	s14 =	sadd.s32 $0x40, s14;
	[tilespmem:s15+$0x3000] =	vst v0  }
0x13: {  	s14 =	simm.s32 $0x40;
	s15 =	simm.s32 $0x0  }
.LBB2_4:
0x14: {  	p0 =	sne.s32 s14, $0x1FC0;
	[tilespmem:s15+$0x2800] =	vst v1;
	s15 =	smov.u32 s14;
	s14 =	sadd.s32 $0x40, s14  }
.Ltmp1:
0x15: {  	(pc) =	sbr.rel @p0 .LBB2_4-.Ltmp1, $2  }
0x16: {  	_ =	sdelay $0x2  }
0x17: {  	s15 =	sshra.s32 s15, $0x2  }
0x18: {  	[tilespmem:s15+$0x2800] =	vst v1  }
0x19: {  	[spmem:s4] =	stream.linear.scatter [tilespmem:s8], [sflag:$0x1], $0x2800, $0x38;
	[tilespmem:$0x8000] =	vst v63  }
0x1a: {  	_ =	swait.ge [sflag:s9], $0x2800  }
0x1b: {  	[sflag:s9] =	ssyncset.done $0x0  }
0x1c: {  	s14 =	simm.s32 $0x0;
	[sflag:s9] =	ssyncadd.s32 $0xFFFFD800  }
0x1d: {  	[tilespmem:s14], [sflag:$0x1] =	stream.linear.gather [hbm4b:s5+s14], $0x2800, $0x38;
	[tilespmem:$0x8000] =	vst v63  }
0x1e: {  	_ =	swait.ge [sflag:s9], $0x2800  }
0x1f: {  	[sflag:s9] =	ssyncset.done $0x0  }
0x20: {  	[sflag:s9] =	ssyncadd.s32 $0xFFFFD800  }
0x21: {  	s31 =	simm.s32 $0x0;
	[bflag:$0x0] =	sbarrier.arrive $0xFFFF  }
0x22: {  	[spmem:s2] =	stream.indirect.scatter.add.f32 [tilespmem:s11], [sflag:$0x1], $0x10, s31, s10, $0xb8;
	[tilespmem:$0x8000] =	vst v63  }
0x23: {  	_ =	swait.ge [sflag:s9], $0x800  }
0x24: {  	s14 =	simm.s32 $0x200;
	[sflag:s9] =	ssyncset.done $0x0  }
.LBB2_6:
0x25: {  	s15 =	sshra.s32 s14, $0x2;
	[sflag:s9] =	ssyncadd.s32 $0xFFFFF800;
	p0 =	sne.s32 s14, $0x9E00  }
0x26: {  	[spmem:s2] =	stream.indirect.scatter.add.f32 [tilespmem:s11], [sflag:$0x1], $0x10, s15, s10, $0xb8;
	[tilespmem:$0x8000] =	vst v63  }
.Ltmp2:
0x27: {  	_ = 	snop;
	(pc) =	sbr.rel @p0 .LBB2_6-.Ltmp2, $4  }
0x28: {  	_ = 	snop  }
0x29: {  	s14 =	sadd.s32 $0x200, s14  }
0x2a: {  	_ =	swait.ge [sflag:s9], $0x800  }
0x2b: {  	[sflag:s9] =	ssyncset.done $0x0  }
0x2c: {  	s3 =	sadd.s32 $0x1, s3  }
0x2d: {  	[sflag:s9] =	ssyncadd.s32 $0xFFFFF800;
	p0 =	sne.s32 s3, s7  }
.Ltmp3:
0x2e: {  	[bflag:$0x0] =	sbarrier.arrive $0xFFFF;
	(pc) =	sbr.rel @p0 .LBB2_1-.Ltmp3, $4  }
0x2f: {  	[hbm:s6], [sflag:s12] =	dma.local [spmem:s13], $0x500  }
0x30: {  	_ =	swait.ge [sflag:s9], $0x500  }
0x31: {  	[sflag:s9] =	ssyncset.done $0x0  }
0x32: {  	[sflag:s9] =	ssyncadd.s32 $0xFFFFFB00  }
0x33: {  	_ =	sfence.sel $0x180000  }
0x34: {  	[bflag:$0x0] =	sbarrier.arrive $0xFFFF  }
0x35: {  	p0 =	sne.s32 s0, $0x0;
	_ =	strace $0x90000047  }
0x36: {  	s0 =	sadd.s32 @!p0 $0x100000, s1;
	[bflag:$0x2] =	sbarrier.arrive $0xFFFF  }
0x37: {  	[sflag:s0] =	ssyncadd.tile.s32 @!p0 $0x1;
	_ =	shalt  }
.Lfunc_end2:
_tile_overlayer_lowered:
.L_overlay_start_2:
0x38: {  	(tag) =	ssettag $0x2  }
0x39: {  	s0 =	rddreg [dreg:$0x0];
	s2 =	stileid.u32  }
0x3a: {  	s1 =	rddreg [dreg:$0x1];
	p0 =	sne.s32 s2, $0x0  }
0x3b: {  	s3 =	rddreg [dreg:$0x2];
	[bflag:$0x3] =	sbarrier.arrive $0xFFFF;
	s2 =	simm.s32 @!p0 $0x1C01  }
0x3c: {  	[timem:s3], [sflag:s2] =	dma.local @!p0 [hbm:s0], s1  }
0x3d: {  	s0 =	simm.s32 @!p0 $0x1  }
0x3e: {  	_ =	swait.ge @!p0 [sflag:s0], s1  }
0x3f: {  	s1 =	ssub.s32 @!p0 $0x0, s1;
	[sflag:s0] =	ssyncset.done @!p0 $0x0  }
0x40: {  	[sflag:s0] =	ssyncadd.s32 @!p0 s1  }
0x41: {  	[bflag:$0x3] =	sbarrier.arrive $0xFFFF  }
0x42: {  	_ =	shalt  }

// kernel: kernel.9.cloned.1.call-start
scs
__scs_entry_jumppad:
0x0: {  	(pc) =	sbr.rel $0x88, $3  }
0x1: {  	(tag) =	ssettag $0x0;
	lr =	simm.s32 $0x1  }
0x2: {  	[smem:$0x3F9E] =	sst lr;
	_ =	strace $0xD0000000  }
0x3: {  	_ = 	snop  }
0x4: {  	_ = 	snop  }
0x5: {  	_ = 	snop  }
0x6: {  	_ = 	snop  }
0x7: {  	_ = 	snop  }
__scs_overlays_trampoline_lowered:
0x8: {  	[smem:$0x3FAD] =	sst s0  }
0x9: {  	[smem:$0x3FAE] =	sst s1  }
0xa: {  	[smem:$0x3FAF] =	sst s2  }
0xb: {  	[smem:$0x3FB0] =	sst s3  }
0xc: {  	[smem:$0x3FB1] =	sst s4  }
0xd: {  	[smem:$0x3FB2] =	sst s5  }
0xe: {  	[smem:$0x3FB3] =	sst s6  }
0xf: {  	[smem:$0x3FB4] =	sst s7  }
0x10: {  	[smem:$0x3FB5] =	sst s8  }
0x11: {  	[smem:$0x3FB6] =	sst s9;
	s0 =	simm.s32 @!p0 $0x0  }
0x12: {  	s1 =	sld [smem:$0x3F9C];
	s0 =	simm.s32 @p0 $0x1  }
0x13: {  	[smem:$0x3FB7] =	sst s0;
	s0 =	simm.s32 @!p1 $0x0  }
0x14: {  	s2 =	sld [smem:$0x3F9B];
	s0 =	simm.s32 @p1 $0x1  }
0x15: {  	[smem:$0x3FB8] =	sst s0;
	s0 =	simm.s32 @!p2 $0x0  }
0x16: {  	s3 =	sld [smem:$0x3FDB];
	s0 =	simm.s32 @p2 $0x1  }
0x17: {  	s4 =	simm.s32 $0x1BF5;
	[smem:$0x3FBA] =	sst s0  }
0x18: {  	s0 =	sld [smem:$0x3F9D];
	_ =	swait.ge [sflag:s4], $0x0  }
0x19: {  	s7 =	sld [smem:$0x3F9E]  }
0x1a: {  	s8 =	sadd.s32 $0xFFFFE003, lr  }
0x1b: {  	s9 =	sadd.s32 $0xFFFFFEF7, lr;
	s5 =	simm.s32 $0xFFFFFFFF;
	p2 =	slt.u32 s8, $0xFFFFF086  }
0x1c: {  	p1 =	slt.u32 s9, $0xF7A;
	s5 =	simm.s32 @!p2 $0x0  }
0x1d: {  	s5 =	simm.s32 @p1 $0x1;
	p0 =	seq.s32 s7, s2  }
0x1e: {  	s7 =	smul.u32 @!p0 $0xF7A, s2;
	p2 =	seq.s32 @!p0 s5, $0x0  }
0x1f: {  	s9 =	smul.u32 $0xF7A, s1;
	s8 =	simm.s32 @!p0 $0x1BF5;
	p2 =	por !p2, p0  }
0x20: {  	[sflag:s8] =	ssyncset.s32 @!p0 $0xFFFFF086;
	s6 =	sadd.s32 @!p0 s3, s7;
	s7 =	simm.s32 @!p0 $0x108  }
0x21: {  	s3 =	sadd.s32 s3, s9;
	s6 =	sadd.s32 @!p0 $0x88, s6;
	s7 =	simm.s32 @p2 $0x1082  }
0x22: {  	[simem:s7], [sflag:s8] =	dma.local @!p0 [hbm:s6], $0xF7A  }
0x23: {  	s9 =	sor.u32 $0xD0000000, s2;
	s6 =	simm.s32 $0x108;
	_ =	swait.ge @!p0 [sflag:s8], $0x0  }
0x24: {  	s3 =	sadd.s32 $0x88, s3;
	s6 =	simm.s32 @!p1 $0x1082;
	[sflag:s4] =	ssyncset.s32 $0xFFFFF086  }
0x25: {  	[simem:s6], [sflag:s4] =	dma.local [hbm:s3], $0xF7A  }
0x26: {  	[smem:$0x3F9E] =	sst s1;
	(tag) =	ssettag s2;
	_ =	strace s9  }
0x27: {  	s1 =	sld [smem:$0x3FAE]  }
0x28: {  	s2 =	sld [smem:$0x3FAF]  }
0x29: {  	s4 =	sld [smem:$0x3FB1]  }
0x2a: {  	p0 =	seq.s32 s5, $0x0;
	s5 =	sld [smem:$0x3FB2]  }
0x2b: {  	s6 =	sld [smem:$0x3FB3]  }
0x2c: {  	s7 =	sld [smem:$0x3FB4]  }
0x2d: {  	s3 =	simm.s32 $0x108;
	s8 =	sld [smem:$0x3FB5]  }
0x2e: {  	s3 =	simm.s32 @!p0 $0x1082;
	s9 =	sld [smem:$0x3FB6]  }
0x2f: {  	lr =	sadd.s32 s0, s3;
	s0 =	sld [smem:$0x3FAD]  }
0x30: {  	s3 =	sld [smem:$0x3FB0]  }
0x31: {  	[smem:$0x3FB9] =	sst s10  }
0x32: {  	s10 =	sld [smem:$0x3FB7];
	_ =	sdelay $0x3  }
0x33: {  	p0 =	seq.s32 s10, $0x1;
	s10 =	sld [smem:$0x3FB9];
	_ =	sdelay $0x3  }
0x34: {  	[smem:$0x3FB9] =	sst s10  }
0x35: {  	s10 =	sld [smem:$0x3FB8];
	_ =	sdelay $0x3  }
0x36: {  	p1 =	seq.s32 s10, $0x1;
	s10 =	sld [smem:$0x3FB9];
	_ =	sdelay $0x3  }
0x37: {  	[smem:$0x3FB9] =	sst s10  }
0x38: {  	s10 =	sld [smem:$0x3FBA]  }
0x39: {  	_ = 	snop;
	(pc) =	sbr.ind lr, $3  }
0x3a: {  	_ = 	snop  }
0x3b: {  	_ = 	snop  }
0x3c: {  	p2 =	seq.s32 s10, $0x1;
	s10 =	sld [smem:$0x3FB9]  }
0x3d: {  	_ =	shalt  }
0x3e: {  	_ =	shalt  }
0x3f: {  	_ =	shalt  }
0x40: {  	_ =	shalt  }
0x41: {  	_ =	shalt  }
0x42: {  	_ =	shalt  }
0x43: {  	_ =	shalt  }
0x44: {  	_ =	shalt  }
0x45: {  	_ =	shalt  }
0x46: {  	_ =	shalt  }
0x47: {  	_ =	shalt  }
0x48: {  	_ =	shalt  }
0x49: {  	_ =	shalt  }
0x4a: {  	_ =	shalt  }
0x4b: {  	_ =	shalt  }
0x4c: {  	_ =	shalt  }
0x4d: {  	_ =	shalt  }
0x4e: {  	_ =	shalt  }
0x4f: {  	_ =	shalt  }
0x50: {  	_ =	shalt  }
0x51: {  	_ =	shalt  }
0x52: {  	_ =	shalt  }
0x53: {  	_ =	shalt  }
0x54: {  	_ =	shalt  }
0x55: {  	_ =	shalt  }
0x56: {  	_ =	shalt  }
0x57: {  	_ =	shalt  }
0x58: {  	_ =	shalt  }
0x59: {  	_ =	shalt  }
0x5a: {  	_ =	shalt  }
0x5b: {  	_ =	shalt  }
0x5c: {  	_ =	shalt  }
0x5d: {  	_ =	shalt  }
0x5e: {  	_ =	shalt  }
0x5f: {  	_ =	shalt  }
0x60: {  	_ =	shalt  }
0x61: {  	_ =	shalt  }
0x62: {  	_ =	shalt  }
0x63: {  	_ =	shalt  }
0x64: {  	_ =	shalt  }
0x65: {  	_ =	shalt  }
0x66: {  	_ =	shalt  }
0x67: {  	_ =	shalt  }
0x68: {  	_ =	shalt  }
0x69: {  	_ =	shalt  }
0x6a: {  	_ =	shalt  }
0x6b: {  	_ =	shalt  }
0x6c: {  	_ =	shalt  }
0x6d: {  	_ =	shalt  }
0x6e: {  	_ =	shalt  }
0x6f: {  	_ =	shalt  }
0x70: {  	_ =	shalt  }
0x71: {  	_ =	shalt  }
0x72: {  	_ =	shalt  }
0x73: {  	_ =	shalt  }
0x74: {  	_ =	shalt  }
0x75: {  	_ =	shalt  }
0x76: {  	_ =	shalt  }
0x77: {  	_ =	shalt  }
0x78: {  	_ =	shalt  }
0x79: {  	_ =	shalt  }
0x7a: {  	_ =	shalt  }
0x7b: {  	_ =	shalt  }
0x7c: {  	_ =	shalt  }
0x7d: {  	_ =	shalt  }
0x7e: {  	_ =	shalt  }
0x7f: {  	_ =	shalt  }
0x80: {  	_ =	shalt  }
0x81: {  	_ =	shalt  }
0x82: {  	_ =	shalt  }
0x83: {  	_ =	shalt  }
0x84: {  	_ =	shalt  }
0x85: {  	_ =	shalt  }
0x86: {  	_ =	shalt  }
0x87: {  	_ =	shalt  }
.Lfunc_end0:
.L_simem_size_0:
called_computation.1_lowered:
.L_overlay_start_0:
0x88: {  	s2 =	sld [smem:$0x3FD9]  }
0x89: {  	s3 =	sld [smem:$0x3FFE];
	_ =	sdelay $0x1  }
0x8a: {  	s1 =	srdreg.scid  }
0x8b: {  	s0 =	sand.u32 $0x1, s1  }
0x8c: {  	s17 =	sshll.u32 s0, $0xA;
	s2 =	sadd.s32 s3, s2  }
0x8d: {  	s2 =	sadd.s32 s2, s17  }
0x8e: {  	[smem:$0x3FC5] =	sst s2  }
0x8f: {  	_ = 	snop  }
0x90: {  	s2 =	sld [smem:$0x3FD0];
	(tm) =	ssettm $0x1  }
0x91: {  	s18 =	sld [smem:$0x3FFB];
	_ =	sdelay $0x3  }
0x92: {  	_ =	strace s18  }
0x93: {  	s3 =	sld [smem:$0x3FFC];
	_ =	sdelay $0x3  }
0x94: {  	_ =	strace s3  }
0x95: {  	s3 =	sld [smem:$0x3FFD];
	_ =	sdelay $0x3  }
0x96: {  	_ =	strace s3  }
0x97: {  	_ =	strace $0x8FFFFFFF  }
0x98: {  	s19 =	sld [smem:$0x3FDB];
	_ =	sdelay $0x1  }
0x99: {  	s4 =	simm.s32 $_scs_section_size  }
0x9a: {  	s5 =	simm.s32 $_size__tile_overlayer_lowered;
	s6 =	simm.s32 $_tile_overlayer_lowered  }
0x9b: {  	s22 =	simm.s32 $0x1BFF;
	s21 =	sshll.u32 s6, $0x1;
	s3 =	sadd.s32 s4, s19  }
0x9c: {  	s7 =	simm.s32 $0x0;
	s20 =	sshll.u32 s5, $0x1;
	s5 =	sadd.s32 s21, s3  }
0x9d: {  	[timem:s7], [sflag:s22] =	dma.local [hbm:s5], s20  }
0x9e: {  	_ =	swait.ge [sflag:s22], s20  }
0x9f: {  	s4 =	ssub.s32 $0x0, s20;
	[sflag:s22] =	ssyncset.done $0x0  }
0xa0: {  	[sflag:s22] =	ssyncadd.s32 s4;
	_ =	sdelay $0x1  }
0xa1: {  	s23 =	simm.s32 $0x1B8B  }
0xa2: {  	_ =	swait.ge [sflag:s23], $0x1  }
0xa3: {  	[sflag:s23] =	ssyncset.done $0x0  }
0xa4: {  	s25 =	simm.s32 $0x1B8E;
	s24 =	sld [smem:$0x3FFE];
	[sflag:s23] =	ssyncadd.s32 $0xFFFFFFFF  }
0xa5: {  	s26 =	simm.s32 $execute0_lowered;
	[smem:$0x3FD2] =	sst s25  }
0xa6: {  	s5 =	sshll.u32 s26, $0x1;
	_ =	strace $0x80000049;
	[dreg:$0x1] =	wrdreg $0xFFFFFFFF  }
0xa7: {  	s28 =	simm.s32 $_size_execute0_lowered;
	s3 =	sadd.s32 s3, s5;
	[dreg:$0x0] =	wrdreg $0x0  }
0xa8: {  	s5 =	sshll.u32 s28, $0x1;
	[dreg:$0x2] =	wrdreg s3  }
0xa9: {  	[dreg:$0x3] =	wrdreg s5  }
0xaa: {  	[dreg:$0x4] =	wrdreg $0xC0  }
0xab: {  	_ =	task [dreg:s7], $0x5FFFF  }
0xac: {  	[dreg:$0x1] =	wrdreg $0xFFFFFFFF  }
0xad: {  	[dreg:$0x0] =	wrdreg $0x60  }
0xae: {  	[dreg:$0x2] =	wrdreg s2  }
0xaf: {  	[dreg:$0x3] =	wrdreg s24  }
0xb0: {  	[dreg:$0x4] =	wrdreg $0x82000  }
0xb1: {  	[dreg:$0x5] =	wrdreg $0x9  }
0xb2: {  	_ =	task.clear_ibuf [dreg:s7], $0x6FFFF;
	_ =	strace $0x90000049  }
0xb3: {  	s29 =	simm.s32 $0x9;
	_ =	strace $0x8000004B  }
0xb4: {  	_ =	swait.ge [sflag:s29], $0x1  }
0xb5: {  	[sflag:s29] =	ssyncadd.s32 $0xFFFFFFFF  }
0xb6: {  	_ =	strace $0x9000004B  }
0xb7: {  	_ =	sfence  }
0xb8: {  	s30 =	sld [smem:$0x0];
	_ =	sdelay $0x2  }
0xb9: {  	s31 =	sshll.u32 s1, $0xD;
	s1 =	sshrl.u32 s1, $0x2  }
0xba: {  	s3 =	sand.u32 $0x4000, s31;
	s1 =	sadd.s32 s1, s30  }
0xbb: {  	s0 =	sor.u32 s3, s0;
	s1 =	sshll.u32 s1, $0x11  }
0xbc: {  	s0 =	sor.u32 s1, s0  }
0xbd: {  	s0 =	sadd.s32 $0x8F2B, s0  }
0xbe: {  	[sflag:s0] =	ssyncadd.remote.s32 $0x1  }
0xbf: {  	_ =	sfence.sel $0xFFFF  }
0xc0: {  	[dreg:$0x0] =	wrdreg $0xFFFFFFFF;
	(pc) =	sbr.abs _section_cstart, $3  }
0xc1: {  	[dreg:$0x1] =	wrdreg $0xFFFFFFFF  }
0xc2: {  	_ =	task.clear_ibuf [dreg:s7], $0x2FFFF;
	_ =	strace $0x9FFFFFFF  }
0xc3: {  	(tm) =	ssettm $0x7FFFFFFF  }
tec
execute0_lowered:
.L_overlay_start_1:
0x0: {  	(tag) =	ssettag $0x1  }
0x1: {  	s0 =	rddreg [dreg:$0x0]  }
0x2: {  	s1 =	rddreg [dreg:$0x1];
	s2 =	srdreg.scid  }
0x3: {  	s3 =	rddreg [dreg:$0x2];
	s20 =	stileid.u32;
	s4 =	simm.s32 $0x0  }
0x4: {  	s21 =	simm.s32 $0x5;
	s28 =	simm.s32 $0x4200;
	s29 =	simm.s32 $0x1  }
0x5: {  	s30 =	simm.s32 $0x2;
	s31 =	simm.s32 $0x0;
	s2 =	sand.u32 $0x1, s2  }
0x6: {  	s6 =	smul.u32 $0x14000, s20;
	[smem:$0x7FF] =	sst s4;
	s18 =	sadd.s32 $0xB200, s1  }
0x7: {  	s19 =	sadd.s32 $0x1400, s1;
	s22 =	smul.u32 $0x50000, s20;
	s16 =	sshll.u32 s20, $0x1  }
0x8: {  	s20 =	sshll.u32 s20, $0x5;
	s5 =	smul.u32 $0x140000, s2;
	_ =	strace $0x8000004A  }
0x9: {  	s23 =	ssub.s32 $0x2, s2;
	s13 =	sor.u32 s2, s16;
	s2 =	sshll.u32 s2, $0x4  }
0xa: {  	s7 =	sshrl.u32 s23, $0x1;
	s8 =	sshll.u32 s13, $0x4;
	s26 =	sor.u32 $0x980, s13  }
0xb: {  	s5 =	sadd.s32 s6, s5;
	s6 =	sshrl.u32 s22, $0x2;
	s11 =	ssub.s32 s23, s7  }
0xc: {  	s24 =	sadd.s32 s18, s8;
	s25 =	sadd.s32 s19, s8;
	s9 =	sor.u32 $0x200, s8  }
0xd: {  	s17 =	sshll.u32 s26, $0x4;
	s22 =	simm.s32 $0x80;
	s23 =	simm.s32 $0x100  }
0xe: {  	p0 =	sgt.u32 s26, $0x983;
	s26 =	simm.s32 $0x4;
	[dreg:$0x4] =	wrdreg s24  }
0xf: {  	s5 =	sshrl.u32 s5, $0x3;
	[dreg:$0x5] =	wrdreg s25;
	s8 =	sadd.s32 s18, s9  }
0x10: {  	s9 =	sadd.s32 s19, s9;
	s11 =	smax.u32 s11, $0x1;
	s25 =	sor.u32 $0x9C0, s16  }
0x11: {  	s17 =	sor.u32 $0x400, s17;
	s24 =	simm.s32 $0x180;
	s1 =	sadd.s32 s5, s1  }
0x12: {  	s5 =	sadd.s32 s6, s3;
	s16 =	sadd.s32 s18, s17;
	s17 =	sadd.s32 s19, s17  }
0x13: {  	s19 =	sadd.s32 s20, s19;
	s20 =	sadd.s32 s20, s18;
	p1 =	sgt.u32 s25, $0x9C3  }
0x14: {  	s25 =	simm.s32 $0x3;
	s10 =	sadd.s32 $0x65000, s1;
	s12 =	sadd.s32 $0x4000, s5  }
0x15: {  	s13 =	sadd.s32 $0x8000, s5;
	s14 =	sadd.s32 $0xC000, s5;
	s15 =	sadd.s32 $0x10000, s5  }
0x16: {  	v0 =	vimm.f32 $0.0e+00;
	s18 =	sadd.s32 s2, s19;
	s19 =	sadd.s32 s2, s20;
	s20 =	simm.s32 $0x200  }
.LBB2_1:
0x17: {  	s1 =	simm.s32 $0x0;
	s2 =	simm.s32 $0x200  }
.LBB2_2:
0x18: {  	p2 =	sne.s32 s2, $0xFE00;
	[tilespmem:s1+$0x270] =	vst v0  }
0x19: {  	[tilespmem:s1+$0x200] =	vst v0  }
0x1a: {  	[tilespmem:s1+$0x210] =	vst v0  }
.Ltmp0:
0x1b: {  	[tilespmem:s1+$0x220] =	vst v0;
	(pc) =	sbr.rel @p2 .LBB2_2-.Ltmp0, $4  }
0x1c: {  	[tilespmem:s1+$0x230] =	vst v0  }
0x1d: {  	[tilespmem:s1+$0x240] =	vst v0  }
0x1e: {  	[tilespmem:s1+$0x250] =	vst v0  }
0x1f: {  	[tilespmem:s1+$0x260] =	vst v0;
	s1 =	sshra.s32 s2, $0x2;
	s2 =	sadd.s32 $0x200, s2  }
0x20: {  	[tilespmem:s1+$0x270] =	vst v0  }
0x21: {  	[tilespmem:s1+$0x200] =	vst v0  }
0x22: {  	[tilespmem:s1+$0x210] =	vst v0  }
0x23: {  	[tilespmem:s1+$0x220] =	vst v0  }
0x24: {  	[tilespmem:s1+$0x230] =	vst v0  }
0x25: {  	[tilespmem:s1+$0x240] =	vst v0  }
0x26: {  	[tilespmem:s1+$0x250] =	vst v0  }
0x27: {  	[tilespmem:s1+$0x260] =	vst v0  }
0x28: {  	[spmem:s5] =	stream.linear.scatter [tilespmem:s20], [sflag:$0x5], $0x4000, $0x38;
	[tilespmem:$0x1C200] =	vst v63  }
0x29: {  	_ =	swait.ge [sflag:s21], $0x4000  }
0x2a: {  	[sflag:s21] =	ssyncset.done $0x0  }
0x2b: {  	[sflag:s21] =	ssyncadd.s32 $0xFFFFC000  }
0x2c: {  	[spmem:s12] =	stream.linear.scatter [tilespmem:s20], [sflag:$0x5], $0x4000, $0x38;
	[tilespmem:$0x1C200] =	vst v63  }
0x2d: {  	_ =	swait.ge [sflag:s21], $0x4000  }
0x2e: {  	[sflag:s21] =	ssyncset.done $0x0  }
0x2f: {  	[sflag:s21] =	ssyncadd.s32 $0xFFFFC000  }
0x30: {  	[spmem:s13] =	stream.linear.scatter [tilespmem:s20], [sflag:$0x5], $0x4000, $0x38;
	[tilespmem:$0x1C200] =	vst v63  }
0x31: {  	_ =	swait.ge [sflag:s21], $0x4000  }
0x32: {  	[sflag:s21] =	ssyncset.done $0x0  }
0x33: {  	[sflag:s21] =	ssyncadd.s32 $0xFFFFC000  }
0x34: {  	[spmem:s14] =	stream.linear.scatter [tilespmem:s20], [sflag:$0x5], $0x4000, $0x38;
	[tilespmem:$0x1C200] =	vst v63  }
0x35: {  	_ =	swait.ge [sflag:s21], $0x4000  }
0x36: {  	[sflag:s21] =	ssyncset.done $0x0  }
0x37: {  	[sflag:s21] =	ssyncadd.s32 $0xFFFFC000  }
0x38: {  	[spmem:s15] =	stream.linear.scatter [tilespmem:s20], [sflag:$0x5], $0x4000, $0x38;
	[tilespmem:$0x1C200] =	vst v63  }
0x39: {  	_ =	swait.ge [sflag:s21], $0x4000  }
0x3a: {  	[sflag:s21] =	ssyncset.done $0x0  }
0x3b: {  	[sflag:s21] =	ssyncadd.s32 $0xFFFFC000  }
0x3c: {  	[bflag:$0x0] =	sbarrier.arrive $0xFFFF  }
0x3d: {  	s7 =	simm.s32 $0x0;
	s2 =	rddreg [dreg:$0x4]  }
0x3e: {  	[tilespmem:s7], [sflag:$0x3] =	stream.linear.gather [hbm4b:s2+s7], $0x80, $0x38;
	[tilespmem:$0x1C200] =	vst v63  }
0x3f: {  	s6 =	rddreg [dreg:$0x5]  }
0x40: {  	[tilespmem:s22], [sflag:$0x3] =	stream.linear.gather [hbm4b:s6+s7], $0x80, $0x38;
	[tilespmem:$0x1C200] =	vst v63  }
0x41: {  	_ = 	snop  }
0x42: {  	[tilespmem:s23], [sflag:$0x4] =	stream.linear.gather [hbm4b:s8+s7], $0x80, $0x38;
	[tilespmem:$0x1C200] =	vst v63  }
0x43: {  	_ = 	snop  }
0x44: {  	[tilespmem:s24], [sflag:$0x4] =	stream.linear.gather [hbm4b:s9+s7], $0x80, $0x38;
	[tilespmem:$0x1C200] =	vst v63  }
0x45: {  	_ =	swait.ge [sflag:s25], $0x80  }
0x46: {  	[sflag:s25] =	ssyncset.done $0x0  }
0x47: {  	[sflag:s25] =	ssyncadd.s32 $0xFFFFFF80  }
0x48: {  	_ =	swait.ge [sflag:s25], $0x80  }
0x49: {  	[sflag:s25] =	ssyncset.done $0x0  }
0x4a: {  	[sflag:s25] =	ssyncadd.s32 $0xFFFFFF80  }
0x4b: {  	[tilespmem:s20], [sflag:$0x1] =	stream.indirect.gather [hbm4b:s0+s22], $0x80, s7, s22, $0xb8;
	[tilespmem:$0x1C200] =	vst v63  }
0x4c: {  	_ =	swait.ge [sflag:s26], $0x80  }
0x4d: {  	[sflag:s26] =	ssyncset.done $0x0  }
0x4e: {  	[sflag:s26] =	ssyncadd.s32 $0xFFFFFF80  }
0x4f: {  	_ =	swait.ge [sflag:s26], $0x80  }
0x50: {  	[sflag:s26] =	ssyncset.done $0x0  }
0x51: {  	[sflag:s26] =	ssyncadd.s32 $0xFFFFFF80  }
0x52: {  	[tilespmem:s28], [sflag:$0x2] =	stream.indirect.gather [hbm4b:s0+s22], $0x80, s23, s22, $0xb8;
	[tilespmem:$0x1C200] =	vst v63  }
0x53: {  	_ =	swait.ge [sflag:s29], $0x4000  }
0x54: {  	[sflag:s29] =	ssyncset.done $0x0  }
0x55: {  	[sflag:s29] =	ssyncadd.s32 $0xFFFFC000  }
0x56: {  	[spmem:s3] =	stream.indirect.scatter.add.f32 [tilespmem:s20], [sflag:$0x5], $0x80, s22, s22, $0xb8;
	[tilespmem:$0x1C200] =	vst v63  }
0x57: {  	_ =	swait.ge [sflag:s21], $0x4000  }
0x58: {  	s1 =	sadd.s32 $0x0, s19;
	[sflag:s21] =	ssyncset.done $0x0  }
0x59: {  	s6 =	sadd.s32 $0x0, s18;
	s7 =	sadd.s32 $0x400, s1;
	[sflag:s21] =	ssyncadd.s32 $0xFFFFC000  }
0x5a: {  	[tilespmem:s4], [sflag:$0x3] =	stream.linear.gather [hbm4b:s7+s4], $0x80, $0x38;
	[tilespmem:$0x1C200] =	vst v63  }
0x5b: {  	s7 =	sadd.s32 $0x400, s6  }
0x5c: {  	[tilespmem:s22], [sflag:$0x3] =	stream.linear.gather [hbm4b:s7+s4], $0x80, $0x38;
	[tilespmem:$0x1C200] =	vst v63  }
0x5d: {  	_ =	swait.ge [sflag:s25], $0x80  }
0x5e: {  	[sflag:s25] =	ssyncset.done $0x0  }
0x5f: {  	[sflag:s25] =	ssyncadd.s32 $0xFFFFFF80  }
0x60: {  	_ =	swait.ge [sflag:s25], $0x80  }
0x61: {  	[sflag:s25] =	ssyncset.done $0x0  }
0x62: {  	[sflag:s25] =	ssyncadd.s32 $0xFFFFFF80  }
0x63: {  	[tilespmem:s20], [sflag:$0x1] =	stream.indirect.gather [hbm4b:s0+s22], $0x80, s4, s22, $0xb8;
	[tilespmem:$0x1C200] =	vst v63  }
0x64: {  	_ =	swait.ge [sflag:s30], $0x4000  }
0x65: {  	[sflag:s30] =	ssyncset.done $0x0  }
0x66: {  	[sflag:s30] =	ssyncadd.s32 $0xFFFFC000  }
0x67: {  	[spmem:s3] =	stream.indirect.scatter.add.f32 [tilespmem:s28], [sflag:$0x5], $0x80, s24, s22, $0xb8;
	[tilespmem:$0x1C200] =	vst v63  }
0x68: {  	_ =	swait.ge [sflag:s21], $0x4000  }
0x69: {  	[sflag:s21] =	ssyncset.done $0x0  }
0x6a: {  	s1 =	sadd.s32 $0x600, s1;
	[sflag:s21] =	ssyncadd.s32 $0xFFFFC000  }
0x6b: {  	[tilespmem:s23], [sflag:$0x4] =	stream.linear.gather [hbm4b:s1+s4], $0x80, $0x38;
	[tilespmem:$0x1C200] =	vst v63  }
0x6c: {  	s2 =	sadd.s32 $0x600, s6;
	s1 =	simm.s32 $0x400  }
.LBB2_4:
0x6d: {  	[tilespmem:s24], [sflag:$0x4] =	stream.linear.gather [hbm4b:s2+s4], $0x80, $0x38;
	[tilespmem:$0x1C200] =	vst v63  }
0x6e: {  	s2 =	smov.u32 s1  }
0x6f: {  	p2 =	sne.s32 s1, $0x9400;
	s1 =	sadd.s32 $0x400, s1;
	_ =	swait.ge [sflag:s26], $0x80  }
0x70: {  	[sflag:s26] =	ssyncset.done $0x0  }
0x71: {  	[sflag:s26] =	ssyncadd.s32 $0xFFFFFF80  }
0x72: {  	_ =	swait.ge [sflag:s26], $0x80  }
0x73: {  	[sflag:s26] =	ssyncset.done $0x0  }
0x74: {  	[sflag:s26] =	ssyncadd.s32 $0xFFFFFF80  }
0x75: {  	[tilespmem:s28], [sflag:$0x2] =	stream.indirect.gather [hbm4b:s0+s22], $0x80, s23, s22, $0xb8;
	[tilespmem:$0x1C200] =	vst v63  }
0x76: {  	_ =	swait.ge [sflag:s29], $0x4000  }
0x77: {  	[sflag:s29] =	ssyncset.done $0x0  }
0x78: {  	[sflag:s29] =	ssyncadd.s32 $0xFFFFC000  }
0x79: {  	[spmem:s3] =	stream.indirect.scatter.add.f32 [tilespmem:s20], [sflag:$0x5], $0x80, s22, s22, $0xb8;
	[tilespmem:$0x1C200] =	vst v63  }
0x7a: {  	_ =	swait.ge [sflag:s21], $0x4000  }
0x7b: {  	s6 =	sadd.s32 s2, s19;
	[sflag:s21] =	ssyncset.done $0x0  }
0x7c: {  	s2 =	sadd.s32 s2, s18;
	s7 =	sadd.s32 $0x400, s6;
	[sflag:s21] =	ssyncadd.s32 $0xFFFFC000  }
0x7d: {  	[tilespmem:s4], [sflag:$0x3] =	stream.linear.gather [hbm4b:s7+s4], $0x80, $0x38;
	[tilespmem:$0x1C200] =	vst v63  }
0x7e: {  	s7 =	sadd.s32 $0x400, s2  }
0x7f: {  	[tilespmem:s22], [sflag:$0x3] =	stream.linear.gather [hbm4b:s7+s4], $0x80, $0x38;
	[tilespmem:$0x1C200] =	vst v63  }
0x80: {  	_ =	swait.ge [sflag:s25], $0x80  }
0x81: {  	[sflag:s25] =	ssyncset.done $0x0  }
0x82: {  	[sflag:s25] =	ssyncadd.s32 $0xFFFFFF80  }
0x83: {  	_ =	swait.ge [sflag:s25], $0x80  }
0x84: {  	[sflag:s25] =	ssyncset.done $0x0  }
0x85: {  	[sflag:s25] =	ssyncadd.s32 $0xFFFFFF80  }
0x86: {  	[tilespmem:s20], [sflag:$0x1] =	stream.indirect.gather [hbm4b:s0+s22], $0x80, s4, s22, $0xb8;
	[tilespmem:$0x1C200] =	vst v63  }
0x87: {  	_ =	swait.ge [sflag:s30], $0x4000  }
0x88: {  	[sflag:s30] =	ssyncset.done $0x0  }
0x89: {  	[sflag:s30] =	ssyncadd.s32 $0xFFFFC000  }
0x8a: {  	[spmem:s3] =	stream.indirect.scatter.add.f32 [tilespmem:s28], [sflag:$0x5], $0x80, s24, s22, $0xb8;
	[tilespmem:$0x1C200] =	vst v63  }
.Ltmp1:
0x8b: {  	_ =	swait.ge [sflag:s21], $0x4000;
	(pc) =	sbr.rel @p2 .LBB2_4-.Ltmp1, $4  }
0x8c: {  	[sflag:s21] =	ssyncset.done $0x0  }
0x8d: {  	s6 =	sadd.s32 $0x600, s6;
	[sflag:s21] =	ssyncadd.s32 $0xFFFFC000  }
0x8e: {  	[tilespmem:s23], [sflag:$0x4] =	stream.linear.gather [hbm4b:s6+s4], $0x80, $0x38;
	[tilespmem:$0x1C200] =	vst v63  }
0x8f: {  	s2 =	sadd.s32 $0x600, s2  }
0x90: {  	[tilespmem:s24], [sflag:$0x4] =	stream.linear.gather [hbm4b:s2+s4], $0x80, $0x38;
	[tilespmem:$0x1C200] =	vst v63  }
0x91: {  	_ =	swait.ge [sflag:s26], $0x80  }
0x92: {  	[sflag:s26] =	ssyncset.done $0x0  }
0x93: {  	[sflag:s26] =	ssyncadd.s32 $0xFFFFFF80  }
0x94: {  	_ =	swait.ge [sflag:s26], $0x80  }
0x95: {  	[sflag:s26] =	ssyncset.done $0x0  }
0x96: {  	[sflag:s26] =	ssyncadd.s32 $0xFFFFFF80  }
0x97: {  	[tilespmem:s28], [sflag:$0x2] =	stream.indirect.gather [hbm4b:s0+s22], $0x80, s23, s22, $0xb8;
	[tilespmem:$0x1C200] =	vst v63  }
0x98: {  	_ =	swait.ge [sflag:s29], $0x4000  }
0x99: {  	[sflag:s29] =	ssyncset.done $0x0  }
0x9a: {  	[sflag:s29] =	ssyncadd.s32 $0xFFFFC000  }
0x9b: {  	[spmem:s3] =	stream.indirect.scatter.add.f32 [tilespmem:s20], [sflag:$0x5], $0x80, s22, s22, $0xb8;
	[tilespmem:$0x1C200] =	vst v63  }
0x9c: {  	_ =	swait.ge [sflag:s21], $0x4000  }
0x9d: {  	[sflag:s21] =	ssyncset.done $0x0  }
0x9e: {  	s1 =	simm.s32 @!p0 $0x0;
	[sflag:s21] =	ssyncadd.s32 $0xFFFFC000  }
0x9f: {  	[tilespmem:s1], [sflag:$0x3] =	stream.linear.gather @!p0 [hbm4b:s16+s1], $0x80, $0x38;
	[tilespmem:$0x1C200] =	vst v63  }
0xa0: {  	s2 =	simm.s32 @!p0 $0x80;
	s6 =	simm.s32 @!p0 $0x3  }
0xa1: {  	[tilespmem:s2], [sflag:$0x3] =	stream.linear.gather @!p0 [hbm4b:s17+s1], $0x80, $0x38;
	[tilespmem:$0x1C200] =	vst v63  }
0xa2: {  	_ =	swait.ge @!p0 [sflag:s6], $0x80  }
0xa3: {  	[sflag:s6] =	ssyncset.done @!p0 $0x0  }
0xa4: {  	[sflag:s6] =	ssyncadd.s32 @!p0 $0xFFFFFF80  }
0xa5: {  	_ =	swait.ge @!p0 [sflag:s6], $0x80  }
0xa6: {  	[sflag:s6] =	ssyncset.done @!p0 $0x0  }
0xa7: {  	[sflag:s6] =	ssyncadd.s32 @!p0 $0xFFFFFF80;
	s6 =	simm.s32 @!p0 $0x200  }
0xa8: {  	[tilespmem:s6], [sflag:$0x1] =	stream.indirect.gather @!p0 [hbm4b:s0+s2], $0x80, s1, s2, $0xb8;
	[tilespmem:$0x1C200] =	vst v63  }
0xa9: {  	_ =	swait.ge [sflag:s30], $0x4000  }
0xaa: {  	[sflag:s30] =	ssyncset.done $0x0  }
0xab: {  	[sflag:s30] =	ssyncadd.s32 $0xFFFFC000  }
0xac: {  	[spmem:s3] =	stream.indirect.scatter.add.f32 [tilespmem:s28], [sflag:$0x5], $0x80, s24, s22, $0xb8;
	[tilespmem:$0x1C200] =	vst v63  }
0xad: {  	_ =	swait.ge [sflag:s21], $0x4000  }
0xae: {  	[sflag:s21] =	ssyncset.done $0x0  }
0xaf: {  	s1 =	simm.s32 @!p1 $0x1;
	[sflag:s21] =	ssyncadd.s32 $0xFFFFC000  }
0xb0: {  	_ =	swait.ge @!p1 [sflag:s1], $0x4000  }
0xb1: {  	[sflag:s1] =	ssyncset.done @!p1 $0x0  }
0xb2: {  	s2 =	simm.s32 @!p1 $0x200;
	[sflag:s1] =	ssyncadd.s32 @!p1 $0xFFFFC000;
	s1 =	simm.s32 @!p1 $0x80  }
0xb3: {  	[spmem:s3] =	stream.indirect.scatter.add.f32 @!p1 [tilespmem:s2], [sflag:$0x5], $0x80, s1, s1, $0xb8;
	[tilespmem:$0x1C200] =	vst v63  }
0xb4: {  	s1 =	simm.s32 @!p1 $0x5  }
0xb5: {  	s7 =	sshrl.u32 s5, $0x3;
	_ =	swait.ge @!p1 [sflag:s1], $0x4000  }
0xb6: {  	s31 =	sadd.s32 $0x1, s31;
	s6 =	stileid.u32;
	[sflag:s1] =	ssyncset.done @!p1 $0x0  }
0xb7: {  	p2 =	sne.s32 s31, s11;
	[sflag:s1] =	ssyncadd.s32 @!p1 $0xFFFFC000;
	s1 =	sshll.u32 s6, $0x6  }
.Ltmp2:
0xb8: {  	[bflag:$0x0] =	sbarrier.arrive $0xFFFF;
	s1 =	sor.u32 $0x1C05, s1;
	(pc) =	sbr.rel @p2 .LBB2_1-.Ltmp2, $4  }
0xb9: {  	[hbm:s10], [sflag:s1] =	dma.local [spmem:s7], $0x2800  }
0xba: {  	_ =	swait.ge [sflag:s21], $0x2800  }
0xbb: {  	[sflag:s21] =	ssyncset.done $0x0  }
0xbc: {  	[sflag:s21] =	ssyncadd.s32 $0xFFFFD800  }
0xbd: {  	_ =	sfence.sel $0x180000  }
0xbe: {  	[bflag:$0x0] =	sbarrier.arrive $0xFFFF  }
0xbf: {  	_ =	strace $0x9000004A  }
0xc0: {  	s0 =	stileid.u32;
	[bflag:$0x2] =	sbarrier.arrive $0xFFFF  }
0xc1: {  	p0 =	sne.s32 s0, $0x0;
	s0 =	rddreg [dreg:$0x3]  }
0xc2: {  	s0 =	sadd.s32 @!p0 $0x100000, s0  }
0xc3: {  	[sflag:s0] =	ssyncadd.tile.s32 @!p0 $0x1;
	_ =	shalt  }
.Lfunc_end2:
_tile_overlayer_lowered:
.L_overlay_start_2:
0xc4: {  	(tag) =	ssettag $0x2  }
0xc5: {  	s0 =	rddreg [dreg:$0x0];
	s2 =	stileid.u32  }
0xc6: {  	s1 =	rddreg [dreg:$0x1];
	p0 =	sne.s32 s2, $0x0  }
0xc7: {  	s3 =	rddreg [dreg:$0x2];
	[bflag:$0x3] =	sbarrier.arrive $0xFFFF;
	s2 =	simm.s32 @!p0 $0x1C05  }
0xc8: {  	[timem:s3], [sflag:s2] =	dma.local @!p0 [hbm:s0], s1  }
0xc9: {  	s0 =	simm.s32 @!p0 $0x5  }
0xca: {  	_ =	swait.ge @!p0 [sflag:s0], s1  }
0xcb: {  	s1 =	ssub.s32 @!p0 $0x0, s1;
	[sflag:s0] =	ssyncset.done @!p0 $0x0  }
0xcc: {  	[sflag:s0] =	ssyncadd.s32 @!p0 s1  }
0xcd: {  	[bflag:$0x3] =	sbarrier.arrive $0xFFFF  }
0xce: {  	_ =	shalt  }

</sc_bundles>
